<compile_context>
chip_gen: v7x
topology: tpu7x:2x2x1
jax: 0.10.2.dev20260603
libtpu: 0.0.44.dev20260713+nightly
codegen_flags: <defaults>
</compile_context>

<pallas_src>
import functools

import jax
import jax.numpy as jnp
from jax import lax
from jax.experimental import pallas as pl
from jax.experimental.pallas import tpu as pltpu
from jax.experimental.pallas import tpu_sc as plsc

_PAD = 0


def _pos_body(inp_ref, pos_ref):
    x = inp_ref[...]
    mask = x != _PAD
    mf = mask.astype(jnp.bfloat16)
    s = x.shape[1]
    r = lax.broadcasted_iota(jnp.int32, (s, s), 0)
    c = lax.broadcasted_iota(jnp.int32, (s, s), 1)
    tri = (r <= c).astype(jnp.bfloat16)
    pos_f = jnp.dot(mf, tri, preferred_element_type=jnp.float32)
    pos = pos_f.astype(jnp.int32)
    pos_ref[...] = jnp.where(mask, pos, _PAD)


def _positions(inp):
    b, s = inp.shape
    blk = b
    return pl.pallas_call(
        _pos_body,
        out_shape=jax.ShapeDtypeStruct((b, s), jnp.int32),
        grid=(b // blk,),
        in_specs=[pl.BlockSpec((blk, s), lambda i: (i, 0))],
        out_specs=pl.BlockSpec((blk, s), lambda i: (i, 0)),
    )(inp)


_NBUF = 5


def _make_gather(n, v, d):
    nw = 32
    k = 128
    per_w = n // nw
    n_chunks = per_w // k
    ng = n_chunks // _NBUF
    assert per_w % k == 0 and n_chunks % _NBUF == 0

    mesh = plsc.VectorSubcoreMesh(core_axis_name="c", subcore_axis_name="s")

    @functools.partial(
        pl.kernel,
        mesh=mesh,
        out_type=jax.ShapeDtypeStruct((n, d), jnp.float32),
        scratch_types=[
            pltpu.VMEM((n_chunks, k), jnp.int32),
            pltpu.VMEM((_NBUF, k, d), jnp.float32),
            pltpu.VMEM_SHARED((v, d), jnp.float32),
        ] + [pltpu.SemaphoreType.DMA] * (1 + 2 * _NBUF),
    )
    def gather(pos_hbm, table_hbm, out_hbm, idx_v, rows_v, table_sh,
               sl, *sems):
        sg = sems[:_NBUF]
        ss = sems[_NBUF:]
        sid = lax.axis_index("s")
        wid = sid * 2 + lax.axis_index("c")
        cbase = wid * n_chunks

        @pl.when(sid == 0)
        def _():
            pltpu.sync_copy(table_hbm, table_sh)

        pltpu.async_copy(pos_hbm.at[pl.ds(cbase, n_chunks)], idx_v, sl)
        pltpu.make_async_copy(pos_hbm.at[pl.ds(cbase, n_chunks)], idx_v,
                              sl).wait()
        plsc.subcore_barrier()

        def out_slice(c):
            return out_hbm.at[pl.ds((cbase + c) * k, k)]

        def body(j, carry):
            c = j * _NBUF

            @pl.when(j > 0)
            def _():
                for b in range(_NBUF):
                    pltpu.make_async_copy(rows_v.at[b], out_slice(c - _NBUF + b),
                                          ss[b]).wait()
                    pltpu.async_copy(table_sh.at[idx_v.at[c + b]],
                                     rows_v.at[b], sg[b])

            @pl.when(j == 0)
            def _():
                for b in range(_NBUF):
                    pltpu.async_copy(table_sh.at[idx_v.at[c + b]],
                                     rows_v.at[b], sg[b])

            for b in range(_NBUF):
                pltpu.make_async_copy(table_sh.at[idx_v.at[c + b]],
                                      rows_v.at[b], sg[b]).wait()
                pltpu.async_copy(rows_v.at[b], out_slice(c + b), ss[b])
            return carry

        lax.fori_loop(0, ng, body, 0)
        for b in range(_NBUF):
            pltpu.make_async_copy(rows_v.at[b], out_slice(b), ss[b]).wait()

    return gather


def kernel(input, table):
    b, s = input.shape
    v, d = table.shape
    inp = input.astype(jnp.int32)
    pos = _positions(inp)
    n = b * s
    out = _make_gather(n, v, d)(pos.reshape(n // 128, 128), table)
    return out.reshape(b, s, d)

# --- scband reference (transcript-rebuilt; emitter-appended) ---
"""Pipeline reference for scband-learned-positional-encoding-12378095747342 (READ-ONLY COPY).

The authoritative reference and input builder live on the scoring server;
editing this copy changes nothing except your own understanding.
"""

import jax, jax.numpy as jnp
import numpy as np

MAX_N_PATCHES = 256
ENCODING_DIM = 128
PAD_INDEX = 0
BATCH = 4096
SEQ = 200

def setup_inputs(seed: int = 0) -> dict:
    key = jax.random.key(seed)
    k1, k2 = jax.random.split(key)
    inp = jax.random.randint(k1, (BATCH, SEQ), 0, 1000, dtype=jnp.int64)
    table = jax.random.normal(k2, (MAX_N_PATCHES, ENCODING_DIM), dtype=jnp.float32)
    # nn.Embedding with padding_idx zeroes the padding row at init
    table = table.at[PAD_INDEX].set(0.0)
    return {"input": inp, "table": table}

def reference(input, table):
    # _make_positions: positions = cumsum(input != pad, dim=1) * mask + pad_index
    masked = (input != PAD_INDEX).astype(input.dtype)
    positions = jnp.cumsum(masked, axis=1) * masked + PAD_INDEX
    # embedding lookup (gather rows)
    return jnp.take(table, positions, axis=0)

if __name__ == "__main__":
    import jax
    _d = setup_inputs()
    print(jax.jit(kernel)(*tuple(_d.values())))

</pallas_src>

<mosaic_0001>
#map = affine_map<(d0, d1) -> (0, 0)>
module attributes {stable_mosaic.version = 14 : i64} {
  func.func @gather(%arg0: i32, %arg1: i32, %arg2: memref<6400x128xi32, #tpu.memory_space<hbm>>, %arg3: memref<256x128xf32, #tpu.memory_space<hbm>>, %arg4: memref<819200x128xf32, #tpu.memory_space<hbm>>, %arg5: memref<200x128xi32, #tpu.memory_space<vmem>>, %arg6: memref<5x128x128xf32, #tpu.memory_space<vmem>>, %arg7: memref<256x128xf32, #tpu.memory_space<vmem_shared>>, %arg8: memref<!tpu.dma_semaphore, #tpu.memory_space<semaphore_mem>>, %arg9: memref<!tpu.dma_semaphore, #tpu.memory_space<semaphore_mem>>, %arg10: memref<!tpu.dma_semaphore, #tpu.memory_space<semaphore_mem>>, %arg11: memref<!tpu.dma_semaphore, #tpu.memory_space<semaphore_mem>>, %arg12: memref<!tpu.dma_semaphore, #tpu.memory_space<semaphore_mem>>, %arg13: memref<!tpu.dma_semaphore, #tpu.memory_space<semaphore_mem>>, %arg14: memref<!tpu.dma_semaphore, #tpu.memory_space<semaphore_mem>>, %arg15: memref<!tpu.dma_semaphore, #tpu.memory_space<semaphore_mem>>, %arg16: memref<!tpu.dma_semaphore, #tpu.memory_space<semaphore_mem>>, %arg17: memref<!tpu.dma_semaphore, #tpu.memory_space<semaphore_mem>>, %arg18: memref<!tpu.dma_semaphore, #tpu.memory_space<semaphore_mem>>) attributes {dimension_semantics = [#tpu.dimension_semantics<core_parallel>, #tpu.dimension_semantics<subcore_parallel>], iteration_bounds = array<i64: 2, 16>, scalar_prefetch = 0 : i64, scratch_operands = 14 : i64, tpu.core_type = #tpu.core_type<sc_vector_subcore>, window_params = [{transform_indices = #map}, {transform_indices = #map}, {transform_indices = #map}]} {
    %mul3A = arith.constant 2 : i32
    %mul3A_0 = arith.muli %arg1, %mul3A : i32
    %add3A = arith.addi %mul3A_0, %arg0 : i32
    %mul3A_1 = arith.constant 200 : i32
    %mul3A_2 = arith.muli %add3A, %mul3A_1 : i32
    %eq3A = arith.constant 0 : i32
    %eq3A_3 = arith.cmpi eq, %arg1, %eq3A : i32
    %convert_element_type3A = arith.extui %eq3A_3 : i1 to i32
    %cond3A = arith.constant 0 : i32
    %cond3A_4 = arith.cmpi ne, %convert_element_type3A, %cond3A : i32
    scf.if %cond3A_4 {
      "tpu.region"() ({
        %run_scoped3A = tpu.sem_alloc : memref<!tpu.dma_semaphore, #tpu.memory_space<semaphore_mem>>
        tpu.enqueue_dma source(%arg3 : memref<256x128xf32, #tpu.memory_space<hbm>>) target(%arg7 : memref<256x128xf32, #tpu.memory_space<vmem_shared>>) target_semaphore(%run_scoped3A : memref<!tpu.dma_semaphore, #tpu.memory_space<semaphore_mem>>)
        tpu.wait_dma2 semaphore(%run_scoped3A : memref<!tpu.dma_semaphore, #tpu.memory_space<semaphore_mem>>) src(%arg3 : memref<256x128xf32, #tpu.memory_space<hbm>>) dst(%arg7 : memref<256x128xf32, #tpu.memory_space<vmem_shared>>)
        tpu.yield
      }) : () -> ()
    } else {
    }
    %dma_start3A = arith.constant 0 : i32
    %dma_start3A_5 = tpu.memref_slice %arg2[%mul3A_2, %dma_start3A] : memref<6400x128xi32, #tpu.memory_space<hbm>> -> memref<200x128xi32, #tpu.memory_space<hbm>>
    %dma_start3A_6 = arith.constant 0 : i32
    %dma_start3A_7 = tpu.memref_slice %arg2[%mul3A_2, %dma_start3A_6] : memref<6400x128xi32, #tpu.memory_space<hbm>> -> memref<200x128xi32, #tpu.memory_space<hbm>>
    tpu.enqueue_dma source(%dma_start3A_7 : memref<200x128xi32, #tpu.memory_space<hbm>>) target(%arg5 : memref<200x128xi32, #tpu.memory_space<vmem>>) target_semaphore(%arg8 : memref<!tpu.dma_semaphore, #tpu.memory_space<semaphore_mem>>)
    %dma_wait3A = arith.constant 0 : i32
    %dma_wait3A_8 = tpu.memref_slice %arg2[%mul3A_2, %dma_wait3A] : memref<6400x128xi32, #tpu.memory_space<hbm>> -> memref<200x128xi32, #tpu.memory_space<hbm>>
    %dma_wait3A_9 = arith.constant 0 : i32
    %dma_wait3A_10 = tpu.memref_slice %arg2[%mul3A_2, %dma_wait3A_9] : memref<6400x128xi32, #tpu.memory_space<hbm>> -> memref<200x128xi32, #tpu.memory_space<hbm>>
    tpu.wait_dma2 semaphore(%arg8 : memref<!tpu.dma_semaphore, #tpu.memory_space<semaphore_mem>>) src(%dma_wait3A_10 : memref<200x128xi32, #tpu.memory_space<hbm>>) dst(%arg5 : memref<200x128xi32, #tpu.memory_space<vmem>>)
    %barrier3A = arith.constant 0 : index
    tpu.barrier barrier_id(%barrier3A)
    %scan3A = arith.constant 0 : i32
    %scan3A_11 = arith.constant 0 : i32
    %scan3A_12 = arith.constant 40 : i32
    %scan3A_13 = arith.addi %scan3A_11, %scan3A_12 : i32
    %scan3A_14 = arith.constant 1 : i32
    scf.for %scan3A_101 = %scan3A_11 to %scan3A_13 step %scan3A_14  : i32 {
      %mul3A_102 = arith.constant 5 : i32
      %mul3A_103 = arith.muli %scan3A_101, %mul3A_102 : i32
      %gt3A = arith.constant 0 : i32
      %gt3A_104 = arith.cmpi sgt, %scan3A_101, %gt3A : i32
      %convert_element_type3A_105 = arith.extui %gt3A_104 : i1 to i32
      %cond3A_106 = arith.constant 0 : i32
      %cond3A_107 = arith.cmpi ne, %convert_element_type3A_105, %cond3A_106 : i32
      scf.if %cond3A_107 {
        %sub3A = arith.constant 5 : i32
        %sub3A_268 = arith.subi %mul3A_103, %sub3A : i32
        %add3A_269 = arith.constant 0 : i32
        %add3A_270 = arith.addi %sub3A_268, %add3A_269 : i32
        %add3A_271 = arith.addi %mul3A_2, %add3A_270 : i32
        %mul3A_272 = arith.constant 128 : i32
        %mul3A_273 = arith.muli %add3A_271, %mul3A_272 : i32
        %dma_wait3A_274 = arith.constant 0 : i32
        %dma_wait3A_275 = arith.constant 0 : i32
        %dma_wait3A_276 = arith.constant 0 : i32
        %dma_wait3A_277 = tpu.memref_slice %arg6[%dma_wait3A_274, %dma_wait3A_275, %dma_wait3A_276] : memref<5x128x128xf32, #tpu.memory_space<vmem>> -> memref<1x128x128xf32, #tpu.memory_space<vmem>>
        %dma_wait3A_278 = tpu.memref_squeeze %dma_wait3A_277 : memref<1x128x128xf32, #tpu.memory_space<vmem>> -> memref<128x128xf32, #tpu.memory_space<vmem>>
        %dma_wait3A_279 = arith.constant 0 : i32
        %dma_wait3A_280 = tpu.memref_slice %arg4[%mul3A_273, %dma_wait3A_279] : memref<819200x128xf32, #tpu.memory_space<hbm>> -> memref<128x128xf32, #tpu.memory_space<hbm>>
        %dma_wait3A_281 = arith.constant 0 : i32
        %dma_wait3A_282 = tpu.memref_slice %arg4[%mul3A_273, %dma_wait3A_281] : memref<819200x128xf32, #tpu.memory_space<hbm>> -> memref<128x128xf32, #tpu.memory_space<hbm>>
        %dma_wait3A_283 = arith.constant 0 : i32
        %dma_wait3A_284 = arith.constant 0 : i32
        %dma_wait3A_285 = tpu.memref_slice %arg6[%dma_wait3A_274, %dma_wait3A_283, %dma_wait3A_284] : memref<5x128x128xf32, #tpu.memory_space<vmem>> -> memref<1x128x128xf32, #tpu.memory_space<vmem>>
        %dma_wait3A_286 = tpu.memref_squeeze %dma_wait3A_285 : memref<1x128x128xf32, #tpu.memory_space<vmem>> -> memref<128x128xf32, #tpu.memory_space<vmem>>
        tpu.wait_dma2 semaphore(%arg14 : memref<!tpu.dma_semaphore, #tpu.memory_space<semaphore_mem>>) src(%dma_wait3A_286 : memref<128x128xf32, #tpu.memory_space<vmem>>) dst(%dma_wait3A_282 : memref<128x128xf32, #tpu.memory_space<hbm>>)
        %add3A_287 = arith.constant 0 : i32
        %add3A_288 = arith.addi %mul3A_103, %add3A_287 : i32
        %dma_start3A_289 = arith.constant 0 : i32
        %dma_start3A_290 = arith.constant 0 : i32
        %dma_start3A_291 = arith.constant 0 : i32
        %dma_start3A_292 = tpu.memref_slice %arg6[%dma_start3A_289, %dma_start3A_290, %dma_start3A_291] : memref<5x128x128xf32, #tpu.memory_space<vmem>> -> memref<1x128x128xf32, #tpu.memory_space<vmem>>
        %dma_start3A_293 = tpu.memref_squeeze %dma_start3A_292 : memref<1x128x128xf32, #tpu.memory_space<vmem>> -> memref<128x128xf32, #tpu.memory_space<vmem>>
        %dma_start3A_294 = arith.constant 0 : i32
        %dma_start3A_295 = tpu.memref_slice %arg5[%add3A_288, %dma_start3A_294] : memref<200x128xi32, #tpu.memory_space<vmem>> -> memref<1x128xi32, #tpu.memory_space<vmem>>
        %dma_start3A_296 = tpu.memref_squeeze %dma_start3A_295 : memref<1x128xi32, #tpu.memory_space<vmem>> -> memref<128xi32, #tpu.memory_space<vmem>>
        %dma_start3A_297 = arith.constant 0 : i32
        %dma_start3A_298 = arith.constant 0 : i32
        %dma_start3A_299 = tpu.memref_slice %arg7[%dma_start3A_297, %dma_start3A_298] : memref<256x128xf32, #tpu.memory_space<vmem_shared>> -> memref<256x128xf32, #tpu.memory_space<vmem_shared>>
        tpu.enqueue_indirect_dma source(%dma_start3A_299 : memref<256x128xf32, #tpu.memory_space<vmem_shared>>) target(%dma_start3A_293 : memref<128x128xf32, #tpu.memory_space<vmem>>) offsets(%dma_start3A_296 : memref<128xi32, #tpu.memory_space<vmem>>) semaphore(%arg9 : memref<!tpu.dma_semaphore, #tpu.memory_space<semaphore_mem>>)
        %sub3A_300 = arith.constant 5 : i32
        %sub3A_301 = arith.subi %mul3A_103, %sub3A_300 : i32
        %add3A_302 = arith.constant 1 : i32
        %add3A_303 = arith.addi %sub3A_301, %add3A_302 : i32
        %add3A_304 = arith.addi %mul3A_2, %add3A_303 : i32
        %mul3A_305 = arith.constant 128 : i32
        %mul3A_306 = arith.muli %add3A_304, %mul3A_305 : i32
        %dma_wait3A_307 = arith.constant 1 : i32
        %dma_wait3A_308 = arith.constant 0 : i32
        %dma_wait3A_309 = arith.constant 0 : i32
        %dma_wait3A_310 = tpu.memref_slice %arg6[%dma_wait3A_307, %dma_wait3A_308, %dma_wait3A_309] : memref<5x128x128xf32, #tpu.memory_space<vmem>> -> memref<1x128x128xf32, #tpu.memory_space<vmem>>
        %dma_wait3A_311 = tpu.memref_squeeze %dma_wait3A_310 : memref<1x128x128xf32, #tpu.memory_space<vmem>> -> memref<128x128xf32, #tpu.memory_space<vmem>>
        %dma_wait3A_312 = arith.constant 0 : i32
        %dma_wait3A_313 = tpu.memref_slice %arg4[%mul3A_306, %dma_wait3A_312] : memref<819200x128xf32, #tpu.memory_space<hbm>> -> memref<128x128xf32, #tpu.memory_space<hbm>>
        %dma_wait3A_314 = arith.constant 0 : i32
        %dma_wait3A_315 = tpu.memref_slice %arg4[%mul3A_306, %dma_wait3A_314] : memref<819200x128xf32, #tpu.memory_space<hbm>> -> memref<128x128xf32, #tpu.memory_space<hbm>>
        %dma_wait3A_316 = arith.constant 0 : i32
        %dma_wait3A_317 = arith.constant 0 : i32
        %dma_wait3A_318 = tpu.memref_slice %arg6[%dma_wait3A_307, %dma_wait3A_316, %dma_wait3A_317] : memref<5x128x128xf32, #tpu.memory_space<vmem>> -> memref<1x128x128xf32, #tpu.memory_space<vmem>>
        %dma_wait3A_319 = tpu.memref_squeeze %dma_wait3A_318 : memref<1x128x128xf32, #tpu.memory_space<vmem>> -> memref<128x128xf32, #tpu.memory_space<vmem>>
        tpu.wait_dma2 semaphore(%arg15 : memref<!tpu.dma_semaphore, #tpu.memory_space<semaphore_mem>>) src(%dma_wait3A_319 : memref<128x128xf32, #tpu.memory_space<vmem>>) dst(%dma_wait3A_315 : memref<128x128xf32, #tpu.memory_space<hbm>>)
        %add3A_320 = arith.constant 1 : i32
        %add3A_321 = arith.addi %mul3A_103, %add3A_320 : i32
        %dma_start3A_322 = arith.constant 1 : i32
        %dma_start3A_323 = arith.constant 0 : i32
        %dma_start3A_324 = arith.constant 0 : i32
        %dma_start3A_325 = tpu.memref_slice %arg6[%dma_start3A_322, %dma_start3A_323, %dma_start3A_324] : memref<5x128x128xf32, #tpu.memory_space<vmem>> -> memref<1x128x128xf32, #tpu.memory_space<vmem>>
        %dma_start3A_326 = tpu.memref_squeeze %dma_start3A_325 : memref<1x128x128xf32, #tpu.memory_space<vmem>> -> memref<128x128xf32, #tpu.memory_space<vmem>>
        %dma_start3A_327 = arith.constant 0 : i32
        %dma_start3A_328 = tpu.memref_slice %arg5[%add3A_321, %dma_start3A_327] : memref<200x128xi32, #tpu.memory_space<vmem>> -> memref<1x128xi32, #tpu.memory_space<vmem>>
        %dma_start3A_329 = tpu.memref_squeeze %dma_start3A_328 : memref<1x128xi32, #tpu.memory_space<vmem>> -> memref<128xi32, #tpu.memory_space<vmem>>
        %dma_start3A_330 = arith.constant 0 : i32
        %dma_start3A_331 = arith.constant 0 : i32
        %dma_start3A_332 = tpu.memref_slice %arg7[%dma_start3A_330, %dma_start3A_331] : memref<256x128xf32, #tpu.memory_space<vmem_shared>> -> memref<256x128xf32, #tpu.memory_space<vmem_shared>>
        tpu.enqueue_indirect_dma source(%dma_start3A_332 : memref<256x128xf32, #tpu.memory_space<vmem_shared>>) target(%dma_start3A_326 : memref<128x128xf32, #tpu.memory_space<vmem>>) offsets(%dma_start3A_329 : memref<128xi32, #tpu.memory_space<vmem>>) semaphore(%arg10 : memref<!tpu.dma_semaphore, #tpu.memory_space<semaphore_mem>>)
        %sub3A_333 = arith.constant 5 : i32
        %sub3A_334 = arith.subi %mul3A_103, %sub3A_333 : i32
        %add3A_335 = arith.constant 2 : i32
        %add3A_336 = arith.addi %sub3A_334, %add3A_335 : i32
        %add3A_337 = arith.addi %mul3A_2, %add3A_336 : i32
        %mul3A_338 = arith.constant 128 : i32
        %mul3A_339 = arith.muli %add3A_337, %mul3A_338 : i32
        %dma_wait3A_340 = arith.constant 2 : i32
        %dma_wait3A_341 = arith.constant 0 : i32
        %dma_wait3A_342 = arith.constant 0 : i32
        %dma_wait3A_343 = tpu.memref_slice %arg6[%dma_wait3A_340, %dma_wait3A_341, %dma_wait3A_342] : memref<5x128x128xf32, #tpu.memory_space<vmem>> -> memref<1x128x128xf32, #tpu.memory_space<vmem>>
        %dma_wait3A_344 = tpu.memref_squeeze %dma_wait3A_343 : memref<1x128x128xf32, #tpu.memory_space<vmem>> -> memref<128x128xf32, #tpu.memory_space<vmem>>
        %dma_wait3A_345 = arith.constant 0 : i32
        %dma_wait3A_346 = tpu.memref_slice %arg4[%mul3A_339, %dma_wait3A_345] : memref<819200x128xf32, #tpu.memory_space<hbm>> -> memref<128x128xf32, #tpu.memory_space<hbm>>
        %dma_wait3A_347 = arith.constant 0 : i32
        %dma_wait3A_348 = tpu.memref_slice %arg4[%mul3A_339, %dma_wait3A_347] : memref<819200x128xf32, #tpu.memory_space<hbm>> -> memref<128x128xf32, #tpu.memory_space<hbm>>
        %dma_wait3A_349 = arith.constant 0 : i32
        %dma_wait3A_350 = arith.constant 0 : i32
        %dma_wait3A_351 = tpu.memref_slice %arg6[%dma_wait3A_340, %dma_wait3A_349, %dma_wait3A_350] : memref<5x128x128xf32, #tpu.memory_space<vmem>> -> memref<1x128x128xf32, #tpu.memory_space<vmem>>
        %dma_wait3A_352 = tpu.memref_squeeze %dma_wait3A_351 : memref<1x128x128xf32, #tpu.memory_space<vmem>> -> memref<128x128xf32, #tpu.memory_space<vmem>>
        tpu.wait_dma2 semaphore(%arg16 : memref<!tpu.dma_semaphore, #tpu.memory_space<semaphore_mem>>) src(%dma_wait3A_352 : memref<128x128xf32, #tpu.memory_space<vmem>>) dst(%dma_wait3A_348 : memref<128x128xf32, #tpu.memory_space<hbm>>)
        %add3A_353 = arith.constant 2 : i32
        %add3A_354 = arith.addi %mul3A_103, %add3A_353 : i32
        %dma_start3A_355 = arith.constant 2 : i32
        %dma_start3A_356 = arith.constant 0 : i32
        %dma_start3A_357 = arith.constant 0 : i32
        %dma_start3A_358 = tpu.memref_slice %arg6[%dma_start3A_355, %dma_start3A_356, %dma_start3A_357] : memref<5x128x128xf32, #tpu.memory_space<vmem>> -> memref<1x128x128xf32, #tpu.memory_space<vmem>>
        %dma_start3A_359 = tpu.memref_squeeze %dma_start3A_358 : memref<1x128x128xf32, #tpu.memory_space<vmem>> -> memref<128x128xf32, #tpu.memory_space<vmem>>
        %dma_start3A_360 = arith.constant 0 : i32
        %dma_start3A_361 = tpu.memref_slice %arg5[%add3A_354, %dma_start3A_360] : memref<200x128xi32, #tpu.memory_space<vmem>> -> memref<1x128xi32, #tpu.memory_space<vmem>>
        %dma_start3A_362 = tpu.memref_squeeze %dma_start3A_361 : memref<1x128xi32, #tpu.memory_space<vmem>> -> memref<128xi32, #tpu.memory_space<vmem>>
        %dma_start3A_363 = arith.constant 0 : i32
        %dma_start3A_364 = arith.constant 0 : i32
        %dma_start3A_365 = tpu.memref_slice %arg7[%dma_start3A_363, %dma_start3A_364] : memref<256x128xf32, #tpu.memory_space<vmem_shared>> -> memref<256x128xf32, #tpu.memory_space<vmem_shared>>
        tpu.enqueue_indirect_dma source(%dma_start3A_365 : memref<256x128xf32, #tpu.memory_space<vmem_shared>>) target(%dma_start3A_359 : memref<128x128xf32, #tpu.memory_space<vmem>>) offsets(%dma_start3A_362 : memref<128xi32, #tpu.memory_space<vmem>>) semaphore(%arg11 : memref<!tpu.dma_semaphore, #tpu.memory_space<semaphore_mem>>)
        %sub3A_366 = arith.constant 5 : i32
        %sub3A_367 = arith.subi %mul3A_103, %sub3A_366 : i32
        %add3A_368 = arith.constant 3 : i32
        %add3A_369 = arith.addi %sub3A_367, %add3A_368 : i32
        %add3A_370 = arith.addi %mul3A_2, %add3A_369 : i32
        %mul3A_371 = arith.constant 128 : i32
        %mul3A_372 = arith.muli %add3A_370, %mul3A_371 : i32
        %dma_wait3A_373 = arith.constant 3 : i32
        %dma_wait3A_374 = arith.constant 0 : i32
        %dma_wait3A_375 = arith.constant 0 : i32
        %dma_wait3A_376 = tpu.memref_slice %arg6[%dma_wait3A_373, %dma_wait3A_374, %dma_wait3A_375] : memref<5x128x128xf32, #tpu.memory_space<vmem>> -> memref<1x128x128xf32, #tpu.memory_space<vmem>>
        %dma_wait3A_377 = tpu.memref_squeeze %dma_wait3A_376 : memref<1x128x128xf32, #tpu.memory_space<vmem>> -> memref<128x128xf32, #tpu.memory_space<vmem>>
        %dma_wait3A_378 = arith.constant 0 : i32
        %dma_wait3A_379 = tpu.memref_slice %arg4[%mul3A_372, %dma_wait3A_378] : memref<819200x128xf32, #tpu.memory_space<hbm>> -> memref<128x128xf32, #tpu.memory_space<hbm>>
        %dma_wait3A_380 = arith.constant 0 : i32
        %dma_wait3A_381 = tpu.memref_slice %arg4[%mul3A_372, %dma_wait3A_380] : memref<819200x128xf32, #tpu.memory_space<hbm>> -> memref<128x128xf32, #tpu.memory_space<hbm>>
        %dma_wait3A_382 = arith.constant 0 : i32
        %dma_wait3A_383 = arith.constant 0 : i32
        %dma_wait3A_384 = tpu.memref_slice %arg6[%dma_wait3A_373, %dma_wait3A_382, %dma_wait3A_383] : memref<5x128x128xf32, #tpu.memory_space<vmem>> -> memref<1x128x128xf32, #tpu.memory_space<vmem>>
        %dma_wait3A_385 = tpu.memref_squeeze %dma_wait3A_384 : memref<1x128x128xf32, #tpu.memory_space<vmem>> -> memref<128x128xf32, #tpu.memory_space<vmem>>
        tpu.wait_dma2 semaphore(%arg17 : memref<!tpu.dma_semaphore, #tpu.memory_space<semaphore_mem>>) src(%dma_wait3A_385 : memref<128x128xf32, #tpu.memory_space<vmem>>) dst(%dma_wait3A_381 : memref<128x128xf32, #tpu.memory_space<hbm>>)
        %add3A_386 = arith.constant 3 : i32
        %add3A_387 = arith.addi %mul3A_103, %add3A_386 : i32
        %dma_start3A_388 = arith.constant 3 : i32
        %dma_start3A_389 = arith.constant 0 : i32
        %dma_start3A_390 = arith.constant 0 : i32
        %dma_start3A_391 = tpu.memref_slice %arg6[%dma_start3A_388, %dma_start3A_389, %dma_start3A_390] : memref<5x128x128xf32, #tpu.memory_space<vmem>> -> memref<1x128x128xf32, #tpu.memory_space<vmem>>
        %dma_start3A_392 = tpu.memref_squeeze %dma_start3A_391 : memref<1x128x128xf32, #tpu.memory_space<vmem>> -> memref<128x128xf32, #tpu.memory_space<vmem>>
        %dma_start3A_393 = arith.constant 0 : i32
        %dma_start3A_394 = tpu.memref_slice %arg5[%add3A_387, %dma_start3A_393] : memref<200x128xi32, #tpu.memory_space<vmem>> -> memref<1x128xi32, #tpu.memory_space<vmem>>
        %dma_start3A_395 = tpu.memref_squeeze %dma_start3A_394 : memref<1x128xi32, #tpu.memory_space<vmem>> -> memref<128xi32, #tpu.memory_space<vmem>>
        %dma_start3A_396 = arith.constant 0 : i32
        %dma_start3A_397 = arith.constant 0 : i32
        %dma_start3A_398 = tpu.memref_slice %arg7[%dma_start3A_396, %dma_start3A_397] : memref<256x128xf32, #tpu.memory_space<vmem_shared>> -> memref<256x128xf32, #tpu.memory_space<vmem_shared>>
        tpu.enqueue_indirect_dma source(%dma_start3A_398 : memref<256x128xf32, #tpu.memory_space<vmem_shared>>) target(%dma_start3A_392 : memref<128x128xf32, #tpu.memory_space<vmem>>) offsets(%dma_start3A_395 : memref<128xi32, #tpu.memory_space<vmem>>) semaphore(%arg12 : memref<!tpu.dma_semaphore, #tpu.memory_space<semaphore_mem>>)
        %sub3A_399 = arith.constant 5 : i32
        %sub3A_400 = arith.subi %mul3A_103, %sub3A_399 : i32
        %add3A_401 = arith.constant 4 : i32
        %add3A_402 = arith.addi %sub3A_400, %add3A_401 : i32
        %add3A_403 = arith.addi %mul3A_2, %add3A_402 : i32
        %mul3A_404 = arith.constant 128 : i32
        %mul3A_405 = arith.muli %add3A_403, %mul3A_404 : i32
        %dma_wait3A_406 = arith.constant 4 : i32
        %dma_wait3A_407 = arith.constant 0 : i32
        %dma_wait3A_408 = arith.constant 0 : i32
        %dma_wait3A_409 = tpu.memref_slice %arg6[%dma_wait3A_406, %dma_wait3A_407, %dma_wait3A_408] : memref<5x128x128xf32, #tpu.memory_space<vmem>> -> memref<1x128x128xf32, #tpu.memory_space<vmem>>
        %dma_wait3A_410 = tpu.memref_squeeze %dma_wait3A_409 : memref<1x128x128xf32, #tpu.memory_space<vmem>> -> memref<128x128xf32, #tpu.memory_space<vmem>>
        %dma_wait3A_411 = arith.constant 0 : i32
        %dma_wait3A_412 = tpu.memref_slice %arg4[%mul3A_405, %dma_wait3A_411] : memref<819200x128xf32, #tpu.memory_space<hbm>> -> memref<128x128xf32, #tpu.memory_space<hbm>>
        %dma_wait3A_413 = arith.constant 0 : i32
        %dma_wait3A_414 = tpu.memref_slice %arg4[%mul3A_405, %dma_wait3A_413] : memref<819200x128xf32, #tpu.memory_space<hbm>> -> memref<128x128xf32, #tpu.memory_space<hbm>>
        %dma_wait3A_415 = arith.constant 0 : i32
        %dma_wait3A_416 = arith.constant 0 : i32
        %dma_wait3A_417 = tpu.memref_slice %arg6[%dma_wait3A_406, %dma_wait3A_415, %dma_wait3A_416] : memref<5x128x128xf32, #tpu.memory_space<vmem>> -> memref<1x128x128xf32, #tpu.memory_space<vmem>>
        %dma_wait3A_418 = tpu.memref_squeeze %dma_wait3A_417 : memref<1x128x128xf32, #tpu.memory_space<vmem>> -> memref<128x128xf32, #tpu.memory_space<vmem>>
        tpu.wait_dma2 semaphore(%arg18 : memref<!tpu.dma_semaphore, #tpu.memory_space<semaphore_mem>>) src(%dma_wait3A_418 : memref<128x128xf32, #tpu.memory_space<vmem>>) dst(%dma_wait3A_414 : memref<128x128xf32, #tpu.memory_space<hbm>>)
        %add3A_419 = arith.constant 4 : i32
        %add3A_420 = arith.addi %mul3A_103, %add3A_419 : i32
        %dma_start3A_421 = arith.constant 4 : i32
        %dma_start3A_422 = arith.constant 0 : i32
        %dma_start3A_423 = arith.constant 0 : i32
        %dma_start3A_424 = tpu.memref_slice %arg6[%dma_start3A_421, %dma_start3A_422, %dma_start3A_423] : memref<5x128x128xf32, #tpu.memory_space<vmem>> -> memref<1x128x128xf32, #tpu.memory_space<vmem>>
        %dma_start3A_425 = tpu.memref_squeeze %dma_start3A_424 : memref<1x128x128xf32, #tpu.memory_space<vmem>> -> memref<128x128xf32, #tpu.memory_space<vmem>>
        %dma_start3A_426 = arith.constant 0 : i32
        %dma_start3A_427 = tpu.memref_slice %arg5[%add3A_420, %dma_start3A_426] : memref<200x128xi32, #tpu.memory_space<vmem>> -> memref<1x128xi32, #tpu.memory_space<vmem>>
        %dma_start3A_428 = tpu.memref_squeeze %dma_start3A_427 : memref<1x128xi32, #tpu.memory_space<vmem>> -> memref<128xi32, #tpu.memory_space<vmem>>
        %dma_start3A_429 = arith.constant 0 : i32
        %dma_start3A_430 = arith.constant 0 : i32
        %dma_start3A_431 = tpu.memref_slice %arg7[%dma_start3A_429, %dma_start3A_430] : memref<256x128xf32, #tpu.memory_space<vmem_shared>> -> memref<256x128xf32, #tpu.memory_space<vmem_shared>>
        tpu.enqueue_indirect_dma source(%dma_start3A_431 : memref<256x128xf32, #tpu.memory_space<vmem_shared>>) target(%dma_start3A_425 : memref<128x128xf32, #tpu.memory_space<vmem>>) offsets(%dma_start3A_428 : memref<128xi32, #tpu.memory_space<vmem>>) semaphore(%arg13 : memref<!tpu.dma_semaphore, #tpu.memory_space<semaphore_mem>>)
      } else {
      }
      %eq3A_108 = arith.constant 0 : i32
      %eq3A_109 = arith.cmpi eq, %scan3A_101, %eq3A_108 : i32
      %convert_element_type3A_110 = arith.extui %eq3A_109 : i1 to i32
      %cond3A_111 = arith.constant 0 : i32
      %cond3A_112 = arith.cmpi ne, %convert_element_type3A_110, %cond3A_111 : i32
      scf.if %cond3A_112 {
        %add3A_268 = arith.constant 0 : i32
        %add3A_269 = arith.addi %mul3A_103, %add3A_268 : i32
        %dma_start3A_270 = arith.constant 0 : i32
        %dma_start3A_271 = arith.constant 0 : i32
        %dma_start3A_272 = arith.constant 0 : i32
        %dma_start3A_273 = tpu.memref_slice %arg6[%dma_start3A_270, %dma_start3A_271, %dma_start3A_272] : memref<5x128x128xf32, #tpu.memory_space<vmem>> -> memref<1x128x128xf32, #tpu.memory_space<vmem>>
        %dma_start3A_274 = tpu.memref_squeeze %dma_start3A_273 : memref<1x128x128xf32, #tpu.memory_space<vmem>> -> memref<128x128xf32, #tpu.memory_space<vmem>>
        %dma_start3A_275 = arith.constant 0 : i32
        %dma_start3A_276 = tpu.memref_slice %arg5[%add3A_269, %dma_start3A_275] : memref<200x128xi32, #tpu.memory_space<vmem>> -> memref<1x128xi32, #tpu.memory_space<vmem>>
        %dma_start3A_277 = tpu.memref_squeeze %dma_start3A_276 : memref<1x128xi32, #tpu.memory_space<vmem>> -> memref<128xi32, #tpu.memory_space<vmem>>
        %dma_start3A_278 = arith.constant 0 : i32
        %dma_start3A_279 = arith.constant 0 : i32
        %dma_start3A_280 = tpu.memref_slice %arg7[%dma_start3A_278, %dma_start3A_279] : memref<256x128xf32, #tpu.memory_space<vmem_shared>> -> memref<256x128xf32, #tpu.memory_space<vmem_shared>>
        tpu.enqueue_indirect_dma source(%dma_start3A_280 : memref<256x128xf32, #tpu.memory_space<vmem_shared>>) target(%dma_start3A_274 : memref<128x128xf32, #tpu.memory_space<vmem>>) offsets(%dma_start3A_277 : memref<128xi32, #tpu.memory_space<vmem>>) semaphore(%arg9 : memref<!tpu.dma_semaphore, #tpu.memory_space<semaphore_mem>>)
        %add3A_281 = arith.constant 1 : i32
        %add3A_282 = arith.addi %mul3A_103, %add3A_281 : i32
        %dma_start3A_283 = arith.constant 1 : i32
        %dma_start3A_284 = arith.constant 0 : i32
        %dma_start3A_285 = arith.constant 0 : i32
        %dma_start3A_286 = tpu.memref_slice %arg6[%dma_start3A_283, %dma_start3A_284, %dma_start3A_285] : memref<5x128x128xf32, #tpu.memory_space<vmem>> -> memref<1x128x128xf32, #tpu.memory_space<vmem>>
        %dma_start3A_287 = tpu.memref_squeeze %dma_start3A_286 : memref<1x128x128xf32, #tpu.memory_space<vmem>> -> memref<128x128xf32, #tpu.memory_space<vmem>>
        %dma_start3A_288 = arith.constant 0 : i32
        %dma_start3A_289 = tpu.memref_slice %arg5[%add3A_282, %dma_start3A_288] : memref<200x128xi32, #tpu.memory_space<vmem>> -> memref<1x128xi32, #tpu.memory_space<vmem>>
        %dma_start3A_290 = tpu.memref_squeeze %dma_start3A_289 : memref<1x128xi32, #tpu.memory_space<vmem>> -> memref<128xi32, #tpu.memory_space<vmem>>
        %dma_start3A_291 = arith.constant 0 : i32
        %dma_start3A_292 = arith.constant 0 : i32
        %dma_start3A_293 = tpu.memref_slice %arg7[%dma_start3A_291, %dma_start3A_292] : memref<256x128xf32, #tpu.memory_space<vmem_shared>> -> memref<256x128xf32, #tpu.memory_space<vmem_shared>>
        tpu.enqueue_indirect_dma source(%dma_start3A_293 : memref<256x128xf32, #tpu.memory_space<vmem_shared>>) target(%dma_start3A_287 : memref<128x128xf32, #tpu.memory_space<vmem>>) offsets(%dma_start3A_290 : memref<128xi32, #tpu.memory_space<vmem>>) semaphore(%arg10 : memref<!tpu.dma_semaphore, #tpu.memory_space<semaphore_mem>>)
        %add3A_294 = arith.constant 2 : i32
        %add3A_295 = arith.addi %mul3A_103, %add3A_294 : i32
        %dma_start3A_296 = arith.constant 2 : i32
        %dma_start3A_297 = arith.constant 0 : i32
        %dma_start3A_298 = arith.constant 0 : i32
        %dma_start3A_299 = tpu.memref_slice %arg6[%dma_start3A_296, %dma_start3A_297, %dma_start3A_298] : memref<5x128x128xf32, #tpu.memory_space<vmem>> -> memref<1x128x128xf32, #tpu.memory_space<vmem>>
        %dma_start3A_300 = tpu.memref_squeeze %dma_start3A_299 : memref<1x128x128xf32, #tpu.memory_space<vmem>> -> memref<128x128xf32, #tpu.memory_space<vmem>>
        %dma_start3A_301 = arith.constant 0 : i32
        %dma_start3A_302 = tpu.memref_slice %arg5[%add3A_295, %dma_start3A_301] : memref<200x128xi32, #tpu.memory_space<vmem>> -> memref<1x128xi32, #tpu.memory_space<vmem>>
        %dma_start3A_303 = tpu.memref_squeeze %dma_start3A_302 : memref<1x128xi32, #tpu.memory_space<vmem>> -> memref<128xi32, #tpu.memory_space<vmem>>
        %dma_start3A_304 = arith.constant 0 : i32
        %dma_start3A_305 = arith.constant 0 : i32
        %dma_start3A_306 = tpu.memref_slice %arg7[%dma_start3A_304, %dma_start3A_305] : memref<256x128xf32, #tpu.memory_space<vmem_shared>> -> memref<256x128xf32, #tpu.memory_space<vmem_shared>>
        tpu.enqueue_indirect_dma source(%dma_start3A_306 : memref<256x128xf32, #tpu.memory_space<vmem_shared>>) target(%dma_start3A_300 : memref<128x128xf32, #tpu.memory_space<vmem>>) offsets(%dma_start3A_303 : memref<128xi32, #tpu.memory_space<vmem>>) semaphore(%arg11 : memref<!tpu.dma_semaphore, #tpu.memory_space<semaphore_mem>>)
        %add3A_307 = arith.constant 3 : i32
        %add3A_308 = arith.addi %mul3A_103, %add3A_307 : i32
        %dma_start3A_309 = arith.constant 3 : i32
        %dma_start3A_310 = arith.constant 0 : i32
        %dma_start3A_311 = arith.constant 0 : i32
        %dma_start3A_312 = tpu.memref_slice %arg6[%dma_start3A_309, %dma_start3A_310, %dma_start3A_311] : memref<5x128x128xf32, #tpu.memory_space<vmem>> -> memref<1x128x128xf32, #tpu.memory_space<vmem>>
        %dma_start3A_313 = tpu.memref_squeeze %dma_start3A_312 : memref<1x128x128xf32, #tpu.memory_space<vmem>> -> memref<128x128xf32, #tpu.memory_space<vmem>>
        %dma_start3A_314 = arith.constant 0 : i32
        %dma_start3A_315 = tpu.memref_slice %arg5[%add3A_308, %dma_start3A_314] : memref<200x128xi32, #tpu.memory_space<vmem>> -> memref<1x128xi32, #tpu.memory_space<vmem>>
        %dma_start3A_316 = tpu.memref_squeeze %dma_start3A_315 : memref<1x128xi32, #tpu.memory_space<vmem>> -> memref<128xi32, #tpu.memory_space<vmem>>
        %dma_start3A_317 = arith.constant 0 : i32
        %dma_start3A_318 = arith.constant 0 : i32
        %dma_start3A_319 = tpu.memref_slice %arg7[%dma_start3A_317, %dma_start3A_318] : memref<256x128xf32, #tpu.memory_space<vmem_shared>> -> memref<256x128xf32, #tpu.memory_space<vmem_shared>>
        tpu.enqueue_indirect_dma source(%dma_start3A_319 : memref<256x128xf32, #tpu.memory_space<vmem_shared>>) target(%dma_start3A_313 : memref<128x128xf32, #tpu.memory_space<vmem>>) offsets(%dma_start3A_316 : memref<128xi32, #tpu.memory_space<vmem>>) semaphore(%arg12 : memref<!tpu.dma_semaphore, #tpu.memory_space<semaphore_mem>>)
        %add3A_320 = arith.constant 4 : i32
        %add3A_321 = arith.addi %mul3A_103, %add3A_320 : i32
        %dma_start3A_322 = arith.constant 4 : i32
        %dma_start3A_323 = arith.constant 0 : i32
        %dma_start3A_324 = arith.constant 0 : i32
        %dma_start3A_325 = tpu.memref_slice %arg6[%dma_start3A_322, %dma_start3A_323, %dma_start3A_324] : memref<5x128x128xf32, #tpu.memory_space<vmem>> -> memref<1x128x128xf32, #tpu.memory_space<vmem>>
        %dma_start3A_326 = tpu.memref_squeeze %dma_start3A_325 : memref<1x128x128xf32, #tpu.memory_space<vmem>> -> memref<128x128xf32, #tpu.memory_space<vmem>>
        %dma_start3A_327 = arith.constant 0 : i32
        %dma_start3A_328 = tpu.memref_slice %arg5[%add3A_321, %dma_start3A_327] : memref<200x128xi32, #tpu.memory_space<vmem>> -> memref<1x128xi32, #tpu.memory_space<vmem>>
        %dma_start3A_329 = tpu.memref_squeeze %dma_start3A_328 : memref<1x128xi32, #tpu.memory_space<vmem>> -> memref<128xi32, #tpu.memory_space<vmem>>
        %dma_start3A_330 = arith.constant 0 : i32
        %dma_start3A_331 = arith.constant 0 : i32
        %dma_start3A_332 = tpu.memref_slice %arg7[%dma_start3A_330, %dma_start3A_331] : memref<256x128xf32, #tpu.memory_space<vmem_shared>> -> memref<256x128xf32, #tpu.memory_space<vmem_shared>>
        tpu.enqueue_indirect_dma source(%dma_start3A_332 : memref<256x128xf32, #tpu.memory_space<vmem_shared>>) target(%dma_start3A_326 : memref<128x128xf32, #tpu.memory_space<vmem>>) offsets(%dma_start3A_329 : memref<128xi32, #tpu.memory_space<vmem>>) semaphore(%arg13 : memref<!tpu.dma_semaphore, #tpu.memory_space<semaphore_mem>>)
      } else {
      }
      %add3A_113 = arith.constant 0 : i32
      %add3A_114 = arith.addi %mul3A_103, %add3A_113 : i32
      %dma_wait3A_115 = arith.constant 0 : i32
      %dma_wait3A_116 = arith.constant 0 : i32
      %dma_wait3A_117 = arith.constant 0 : i32
      %dma_wait3A_118 = tpu.memref_slice %arg6[%dma_wait3A_115, %dma_wait3A_116, %dma_wait3A_117] : memref<5x128x128xf32, #tpu.memory_space<vmem>> -> memref<1x128x128xf32, #tpu.memory_space<vmem>>
      %dma_wait3A_119 = tpu.memref_squeeze %dma_wait3A_118 : memref<1x128x128xf32, #tpu.memory_space<vmem>> -> memref<128x128xf32, #tpu.memory_space<vmem>>
      %dma_wait3A_120 = arith.constant 0 : i32
      %dma_wait3A_121 = tpu.memref_slice %arg5[%add3A_114, %dma_wait3A_120] : memref<200x128xi32, #tpu.memory_space<vmem>> -> memref<1x128xi32, #tpu.memory_space<vmem>>
      %dma_wait3A_122 = tpu.memref_squeeze %dma_wait3A_121 : memref<1x128xi32, #tpu.memory_space<vmem>> -> memref<128xi32, #tpu.memory_space<vmem>>
      %dma_wait3A_123 = arith.constant 0 : i32
      %dma_wait3A_124 = arith.constant 0 : i32
      %dma_wait3A_125 = tpu.memref_slice %arg7[%dma_wait3A_123, %dma_wait3A_124] : memref<256x128xf32, #tpu.memory_space<vmem_shared>> -> memref<256x128xf32, #tpu.memory_space<vmem_shared>>
      tpu.wait_indirect_dma semaphore(%arg9 : memref<!tpu.dma_semaphore, #tpu.memory_space<semaphore_mem>>) src(%dma_wait3A_125 : memref<256x128xf32, #tpu.memory_space<vmem_shared>>) dst(%dma_wait3A_119 : memref<128x128xf32, #tpu.memory_space<vmem>>)
      %add3A_126 = arith.constant 0 : i32
      %add3A_127 = arith.addi %mul3A_103, %add3A_126 : i32
      %add3A_128 = arith.addi %mul3A_2, %add3A_127 : i32
      %mul3A_129 = arith.constant 128 : i32
      %mul3A_130 = arith.muli %add3A_128, %mul3A_129 : i32
      %dma_start3A_131 = arith.constant 0 : i32
      %dma_start3A_132 = arith.constant 0 : i32
      %dma_start3A_133 = arith.constant 0 : i32
      %dma_start3A_134 = tpu.memref_slice %arg6[%dma_start3A_131, %dma_start3A_132, %dma_start3A_133] : memref<5x128x128xf32, #tpu.memory_space<vmem>> -> memref<1x128x128xf32, #tpu.memory_space<vmem>>
      %dma_start3A_135 = tpu.memref_squeeze %dma_start3A_134 : memref<1x128x128xf32, #tpu.memory_space<vmem>> -> memref<128x128xf32, #tpu.memory_space<vmem>>
      %dma_start3A_136 = arith.constant 0 : i32
      %dma_start3A_137 = tpu.memref_slice %arg4[%mul3A_130, %dma_start3A_136] : memref<819200x128xf32, #tpu.memory_space<hbm>> -> memref<128x128xf32, #tpu.memory_space<hbm>>
      %dma_start3A_138 = arith.constant 0 : i32
      %dma_start3A_139 = tpu.memref_slice %arg4[%mul3A_130, %dma_start3A_138] : memref<819200x128xf32, #tpu.memory_space<hbm>> -> memref<128x128xf32, #tpu.memory_space<hbm>>
      %dma_start3A_140 = arith.constant 0 : i32
      %dma_start3A_141 = arith.constant 0 : i32
      %dma_start3A_142 = tpu.memref_slice %arg6[%dma_start3A_131, %dma_start3A_140, %dma_start3A_141] : memref<5x128x128xf32, #tpu.memory_space<vmem>> -> memref<1x128x128xf32, #tpu.memory_space<vmem>>
      %dma_start3A_143 = tpu.memref_squeeze %dma_start3A_142 : memref<1x128x128xf32, #tpu.memory_space<vmem>> -> memref<128x128xf32, #tpu.memory_space<vmem>>
      tpu.enqueue_dma source(%dma_start3A_143 : memref<128x128xf32, #tpu.memory_space<vmem>>) target(%dma_start3A_139 : memref<128x128xf32, #tpu.memory_space<hbm>>) target_semaphore(%arg14 : memref<!tpu.dma_semaphore, #tpu.memory_space<semaphore_mem>>)
      %add3A_144 = arith.constant 1 : i32
      %add3A_145 = arith.addi %mul3A_103, %add3A_144 : i32
      %dma_wait3A_146 = arith.constant 1 : i32
      %dma_wait3A_147 = arith.constant 0 : i32
      %dma_wait3A_148 = arith.constant 0 : i32
      %dma_wait3A_149 = tpu.memref_slice %arg6[%dma_wait3A_146, %dma_wait3A_147, %dma_wait3A_148] : memref<5x128x128xf32, #tpu.memory_space<vmem>> -> memref<1x128x128xf32, #tpu.memory_space<vmem>>
      %dma_wait3A_150 = tpu.memref_squeeze %dma_wait3A_149 : memref<1x128x128xf32, #tpu.memory_space<vmem>> -> memref<128x128xf32, #tpu.memory_space<vmem>>
      %dma_wait3A_151 = arith.constant 0 : i32
      %dma_wait3A_152 = tpu.memref_slice %arg5[%add3A_145, %dma_wait3A_151] : memref<200x128xi32, #tpu.memory_space<vmem>> -> memref<1x128xi32, #tpu.memory_space<vmem>>
      %dma_wait3A_153 = tpu.memref_squeeze %dma_wait3A_152 : memref<1x128xi32, #tpu.memory_space<vmem>> -> memref<128xi32, #tpu.memory_space<vmem>>
      %dma_wait3A_154 = arith.constant 0 : i32
      %dma_wait3A_155 = arith.constant 0 : i32
      %dma_wait3A_156 = tpu.memref_slice %arg7[%dma_wait3A_154, %dma_wait3A_155] : memref<256x128xf32, #tpu.memory_space<vmem_shared>> -> memref<256x128xf32, #tpu.memory_space<vmem_shared>>
      tpu.wait_indirect_dma semaphore(%arg10 : memref<!tpu.dma_semaphore, #tpu.memory_space<semaphore_mem>>) src(%dma_wait3A_156 : memref<256x128xf32, #tpu.memory_space<vmem_shared>>) dst(%dma_wait3A_150 : memref<128x128xf32, #tpu.memory_space<vmem>>)
      %add3A_157 = arith.constant 1 : i32
      %add3A_158 = arith.addi %mul3A_103, %add3A_157 : i32
      %add3A_159 = arith.addi %mul3A_2, %add3A_158 : i32
      %mul3A_160 = arith.constant 128 : i32
      %mul3A_161 = arith.muli %add3A_159, %mul3A_160 : i32
      %dma_start3A_162 = arith.constant 1 : i32
      %dma_start3A_163 = arith.constant 0 : i32
      %dma_start3A_164 = arith.constant 0 : i32
      %dma_start3A_165 = tpu.memref_slice %arg6[%dma_start3A_162, %dma_start3A_163, %dma_start3A_164] : memref<5x128x128xf32, #tpu.memory_space<vmem>> -> memref<1x128x128xf32, #tpu.memory_space<vmem>>
      %dma_start3A_166 = tpu.memref_squeeze %dma_start3A_165 : memref<1x128x128xf32, #tpu.memory_space<vmem>> -> memref<128x128xf32, #tpu.memory_space<vmem>>
      %dma_start3A_167 = arith.constant 0 : i32
      %dma_start3A_168 = tpu.memref_slice %arg4[%mul3A_161, %dma_start3A_167] : memref<819200x128xf32, #tpu.memory_space<hbm>> -> memref<128x128xf32, #tpu.memory_space<hbm>>
      %dma_start3A_169 = arith.constant 0 : i32
      %dma_start3A_170 = tpu.memref_slice %arg4[%mul3A_161, %dma_start3A_169] : memref<819200x128xf32, #tpu.memory_space<hbm>> -> memref<128x128xf32, #tpu.memory_space<hbm>>
      %dma_start3A_171 = arith.constant 0 : i32
      %dma_start3A_172 = arith.constant 0 : i32
      %dma_start3A_173 = tpu.memref_slice %arg6[%dma_start3A_162, %dma_start3A_171, %dma_start3A_172] : memref<5x128x128xf32, #tpu.memory_space<vmem>> -> memref<1x128x128xf32, #tpu.memory_space<vmem>>
      %dma_start3A_174 = tpu.memref_squeeze %dma_start3A_173 : memref<1x128x128xf32, #tpu.memory_space<vmem>> -> memref<128x128xf32, #tpu.memory_space<vmem>>
      tpu.enqueue_dma source(%dma_start3A_174 : memref<128x128xf32, #tpu.memory_space<vmem>>) target(%dma_start3A_170 : memref<128x128xf32, #tpu.memory_space<hbm>>) target_semaphore(%arg15 : memref<!tpu.dma_semaphore, #tpu.memory_space<semaphore_mem>>)
      %add3A_175 = arith.constant 2 : i32
      %add3A_176 = arith.addi %mul3A_103, %add3A_175 : i32
      %dma_wait3A_177 = arith.constant 2 : i32
      %dma_wait3A_178 = arith.constant 0 : i32
      %dma_wait3A_179 = arith.constant 0 : i32
      %dma_wait3A_180 = tpu.memref_slice %arg6[%dma_wait3A_177, %dma_wait3A_178, %dma_wait3A_179] : memref<5x128x128xf32, #tpu.memory_space<vmem>> -> memref<1x128x128xf32, #tpu.memory_space<vmem>>
      %dma_wait3A_181 = tpu.memref_squeeze %dma_wait3A_180 : memref<1x128x128xf32, #tpu.memory_space<vmem>> -> memref<128x128xf32, #tpu.memory_space<vmem>>
      %dma_wait3A_182 = arith.constant 0 : i32
      %dma_wait3A_183 = tpu.memref_slice %arg5[%add3A_176, %dma_wait3A_182] : memref<200x128xi32, #tpu.memory_space<vmem>> -> memref<1x128xi32, #tpu.memory_space<vmem>>
      %dma_wait3A_184 = tpu.memref_squeeze %dma_wait3A_183 : memref<1x128xi32, #tpu.memory_space<vmem>> -> memref<128xi32, #tpu.memory_space<vmem>>
      %dma_wait3A_185 = arith.constant 0 : i32
      %dma_wait3A_186 = arith.constant 0 : i32
      %dma_wait3A_187 = tpu.memref_slice %arg7[%dma_wait3A_185, %dma_wait3A_186] : memref<256x128xf32, #tpu.memory_space<vmem_shared>> -> memref<256x128xf32, #tpu.memory_space<vmem_shared>>
      tpu.wait_indirect_dma semaphore(%arg11 : memref<!tpu.dma_semaphore, #tpu.memory_space<semaphore_mem>>) src(%dma_wait3A_187 : memref<256x128xf32, #tpu.memory_space<vmem_shared>>) dst(%dma_wait3A_181 : memref<128x128xf32, #tpu.memory_space<vmem>>)
      %add3A_188 = arith.constant 2 : i32
      %add3A_189 = arith.addi %mul3A_103, %add3A_188 : i32
      %add3A_190 = arith.addi %mul3A_2, %add3A_189 : i32
      %mul3A_191 = arith.constant 128 : i32
      %mul3A_192 = arith.muli %add3A_190, %mul3A_191 : i32
      %dma_start3A_193 = arith.constant 2 : i32
      %dma_start3A_194 = arith.constant 0 : i32
      %dma_start3A_195 = arith.constant 0 : i32
      %dma_start3A_196 = tpu.memref_slice %arg6[%dma_start3A_193, %dma_start3A_194, %dma_start3A_195] : memref<5x128x128xf32, #tpu.memory_space<vmem>> -> memref<1x128x128xf32, #tpu.memory_space<vmem>>
      %dma_start3A_197 = tpu.memref_squeeze %dma_start3A_196 : memref<1x128x128xf32, #tpu.memory_space<vmem>> -> memref<128x128xf32, #tpu.memory_space<vmem>>
      %dma_start3A_198 = arith.constant 0 : i32
      %dma_start3A_199 = tpu.memref_slice %arg4[%mul3A_192, %dma_start3A_198] : memref<819200x128xf32, #tpu.memory_space<hbm>> -> memref<128x128xf32, #tpu.memory_space<hbm>>
      %dma_start3A_200 = arith.constant 0 : i32
      %dma_start3A_201 = tpu.memref_slice %arg4[%mul3A_192, %dma_start3A_200] : memref<819200x128xf32, #tpu.memory_space<hbm>> -> memref<128x128xf32, #tpu.memory_space<hbm>>
      %dma_start3A_202 = arith.constant 0 : i32
      %dma_start3A_203 = arith.constant 0 : i32
      %dma_start3A_204 = tpu.memref_slice %arg6[%dma_start3A_193, %dma_start3A_202, %dma_start3A_203] : memref<5x128x128xf32, #tpu.memory_space<vmem>> -> memref<1x128x128xf32, #tpu.memory_space<vmem>>
      %dma_start3A_205 = tpu.memref_squeeze %dma_start3A_204 : memref<1x128x128xf32, #tpu.memory_space<vmem>> -> memref<128x128xf32, #tpu.memory_space<vmem>>
      tpu.enqueue_dma source(%dma_start3A_205 : memref<128x128xf32, #tpu.memory_space<vmem>>) target(%dma_start3A_201 : memref<128x128xf32, #tpu.memory_space<hbm>>) target_semaphore(%arg16 : memref<!tpu.dma_semaphore, #tpu.memory_space<semaphore_mem>>)
      %add3A_206 = arith.constant 3 : i32
      %add3A_207 = arith.addi %mul3A_103, %add3A_206 : i32
      %dma_wait3A_208 = arith.constant 3 : i32
      %dma_wait3A_209 = arith.constant 0 : i32
      %dma_wait3A_210 = arith.constant 0 : i32
      %dma_wait3A_211 = tpu.memref_slice %arg6[%dma_wait3A_208, %dma_wait3A_209, %dma_wait3A_210] : memref<5x128x128xf32, #tpu.memory_space<vmem>> -> memref<1x128x128xf32, #tpu.memory_space<vmem>>
      %dma_wait3A_212 = tpu.memref_squeeze %dma_wait3A_211 : memref<1x128x128xf32, #tpu.memory_space<vmem>> -> memref<128x128xf32, #tpu.memory_space<vmem>>
      %dma_wait3A_213 = arith.constant 0 : i32
      %dma_wait3A_214 = tpu.memref_slice %arg5[%add3A_207, %dma_wait3A_213] : memref<200x128xi32, #tpu.memory_space<vmem>> -> memref<1x128xi32, #tpu.memory_space<vmem>>
      %dma_wait3A_215 = tpu.memref_squeeze %dma_wait3A_214 : memref<1x128xi32, #tpu.memory_space<vmem>> -> memref<128xi32, #tpu.memory_space<vmem>>
      %dma_wait3A_216 = arith.constant 0 : i32
      %dma_wait3A_217 = arith.constant 0 : i32
      %dma_wait3A_218 = tpu.memref_slice %arg7[%dma_wait3A_216, %dma_wait3A_217] : memref<256x128xf32, #tpu.memory_space<vmem_shared>> -> memref<256x128xf32, #tpu.memory_space<vmem_shared>>
      tpu.wait_indirect_dma semaphore(%arg12 : memref<!tpu.dma_semaphore, #tpu.memory_space<semaphore_mem>>) src(%dma_wait3A_218 : memref<256x128xf32, #tpu.memory_space<vmem_shared>>) dst(%dma_wait3A_212 : memref<128x128xf32, #tpu.memory_space<vmem>>)
      %add3A_219 = arith.constant 3 : i32
      %add3A_220 = arith.addi %mul3A_103, %add3A_219 : i32
      %add3A_221 = arith.addi %mul3A_2, %add3A_220 : i32
      %mul3A_222 = arith.constant 128 : i32
      %mul3A_223 = arith.muli %add3A_221, %mul3A_222 : i32
      %dma_start3A_224 = arith.constant 3 : i32
      %dma_start3A_225 = arith.constant 0 : i32
      %dma_start3A_226 = arith.constant 0 : i32
      %dma_start3A_227 = tpu.memref_slice %arg6[%dma_start3A_224, %dma_start3A_225, %dma_start3A_226] : memref<5x128x128xf32, #tpu.memory_space<vmem>> -> memref<1x128x128xf32, #tpu.memory_space<vmem>>
      %dma_start3A_228 = tpu.memref_squeeze %dma_start3A_227 : memref<1x128x128xf32, #tpu.memory_space<vmem>> -> memref<128x128xf32, #tpu.memory_space<vmem>>
      %dma_start3A_229 = arith.constant 0 : i32
      %dma_start3A_230 = tpu.memref_slice %arg4[%mul3A_223, %dma_start3A_229] : memref<819200x128xf32, #tpu.memory_space<hbm>> -> memref<128x128xf32, #tpu.memory_space<hbm>>
      %dma_start3A_231 = arith.constant 0 : i32
      %dma_start3A_232 = tpu.memref_slice %arg4[%mul3A_223, %dma_start3A_231] : memref<819200x128xf32, #tpu.memory_space<hbm>> -> memref<128x128xf32, #tpu.memory_space<hbm>>
      %dma_start3A_233 = arith.constant 0 : i32
      %dma_start3A_234 = arith.constant 0 : i32
      %dma_start3A_235 = tpu.memref_slice %arg6[%dma_start3A_224, %dma_start3A_233, %dma_start3A_234] : memref<5x128x128xf32, #tpu.memory_space<vmem>> -> memref<1x128x128xf32, #tpu.memory_space<vmem>>
      %dma_start3A_236 = tpu.memref_squeeze %dma_start3A_235 : memref<1x128x128xf32, #tpu.memory_space<vmem>> -> memref<128x128xf32, #tpu.memory_space<vmem>>
      tpu.enqueue_dma source(%dma_start3A_236 : memref<128x128xf32, #tpu.memory_space<vmem>>) target(%dma_start3A_232 : memref<128x128xf32, #tpu.memory_space<hbm>>) target_semaphore(%arg17 : memref<!tpu.dma_semaphore, #tpu.memory_space<semaphore_mem>>)
      %add3A_237 = arith.constant 4 : i32
      %add3A_238 = arith.addi %mul3A_103, %add3A_237 : i32
      %dma_wait3A_239 = arith.constant 4 : i32
      %dma_wait3A_240 = arith.constant 0 : i32
      %dma_wait3A_241 = arith.constant 0 : i32
      %dma_wait3A_242 = tpu.memref_slice %arg6[%dma_wait3A_239, %dma_wait3A_240, %dma_wait3A_241] : memref<5x128x128xf32, #tpu.memory_space<vmem>> -> memref<1x128x128xf32, #tpu.memory_space<vmem>>
      %dma_wait3A_243 = tpu.memref_squeeze %dma_wait3A_242 : memref<1x128x128xf32, #tpu.memory_space<vmem>> -> memref<128x128xf32, #tpu.memory_space<vmem>>
      %dma_wait3A_244 = arith.constant 0 : i32
      %dma_wait3A_245 = tpu.memref_slice %arg5[%add3A_238, %dma_wait3A_244] : memref<200x128xi32, #tpu.memory_space<vmem>> -> memref<1x128xi32, #tpu.memory_space<vmem>>
      %dma_wait3A_246 = tpu.memref_squeeze %dma_wait3A_245 : memref<1x128xi32, #tpu.memory_space<vmem>> -> memref<128xi32, #tpu.memory_space<vmem>>
      %dma_wait3A_247 = arith.constant 0 : i32
      %dma_wait3A_248 = arith.constant 0 : i32
      %dma_wait3A_249 = tpu.memref_slice %arg7[%dma_wait3A_247, %dma_wait3A_248] : memref<256x128xf32, #tpu.memory_space<vmem_shared>> -> memref<256x128xf32, #tpu.memory_space<vmem_shared>>
      tpu.wait_indirect_dma semaphore(%arg13 : memref<!tpu.dma_semaphore, #tpu.memory_space<semaphore_mem>>) src(%dma_wait3A_249 : memref<256x128xf32, #tpu.memory_space<vmem_shared>>) dst(%dma_wait3A_243 : memref<128x128xf32, #tpu.memory_space<vmem>>)
      %add3A_250 = arith.constant 4 : i32
      %add3A_251 = arith.addi %mul3A_103, %add3A_250 : i32
      %add3A_252 = arith.addi %mul3A_2, %add3A_251 : i32
      %mul3A_253 = arith.constant 128 : i32
      %mul3A_254 = arith.muli %add3A_252, %mul3A_253 : i32
      %dma_start3A_255 = arith.constant 4 : i32
      %dma_start3A_256 = arith.constant 0 : i32
      %dma_start3A_257 = arith.constant 0 : i32
      %dma_start3A_258 = tpu.memref_slice %arg6[%dma_start3A_255, %dma_start3A_256, %dma_start3A_257] : memref<5x128x128xf32, #tpu.memory_space<vmem>> -> memref<1x128x128xf32, #tpu.memory_space<vmem>>
      %dma_start3A_259 = tpu.memref_squeeze %dma_start3A_258 : memref<1x128x128xf32, #tpu.memory_space<vmem>> -> memref<128x128xf32, #tpu.memory_space<vmem>>
      %dma_start3A_260 = arith.constant 0 : i32
      %dma_start3A_261 = tpu.memref_slice %arg4[%mul3A_254, %dma_start3A_260] : memref<819200x128xf32, #tpu.memory_space<hbm>> -> memref<128x128xf32, #tpu.memory_space<hbm>>
      %dma_start3A_262 = arith.constant 0 : i32
      %dma_start3A_263 = tpu.memref_slice %arg4[%mul3A_254, %dma_start3A_262] : memref<819200x128xf32, #tpu.memory_space<hbm>> -> memref<128x128xf32, #tpu.memory_space<hbm>>
      %dma_start3A_264 = arith.constant 0 : i32
      %dma_start3A_265 = arith.constant 0 : i32
      %dma_start3A_266 = tpu.memref_slice %arg6[%dma_start3A_255, %dma_start3A_264, %dma_start3A_265] : memref<5x128x128xf32, #tpu.memory_space<vmem>> -> memref<1x128x128xf32, #tpu.memory_space<vmem>>
      %dma_start3A_267 = tpu.memref_squeeze %dma_start3A_266 : memref<1x128x128xf32, #tpu.memory_space<vmem>> -> memref<128x128xf32, #tpu.memory_space<vmem>>
      tpu.enqueue_dma source(%dma_start3A_267 : memref<128x128xf32, #tpu.memory_space<vmem>>) target(%dma_start3A_263 : memref<128x128xf32, #tpu.memory_space<hbm>>) target_semaphore(%arg18 : memref<!tpu.dma_semaphore, #tpu.memory_space<semaphore_mem>>)
    }
    %scan3A_15 = arith.constant 40 : i32
    %add3A_16 = arith.constant 0 : i32
    %add3A_17 = arith.addi %mul3A_2, %add3A_16 : i32
    %mul3A_18 = arith.constant 128 : i32
    %mul3A_19 = arith.muli %add3A_17, %mul3A_18 : i32
    %dma_wait3A_20 = arith.constant 0 : i32
    %dma_wait3A_21 = arith.constant 0 : i32
    %dma_wait3A_22 = arith.constant 0 : i32
    %dma_wait3A_23 = tpu.memref_slice %arg6[%dma_wait3A_20, %dma_wait3A_21, %dma_wait3A_22] : memref<5x128x128xf32, #tpu.memory_space<vmem>> -> memref<1x128x128xf32, #tpu.memory_space<vmem>>
    %dma_wait3A_24 = tpu.memref_squeeze %dma_wait3A_23 : memref<1x128x128xf32, #tpu.memory_space<vmem>> -> memref<128x128xf32, #tpu.memory_space<vmem>>
    %dma_wait3A_25 = arith.constant 0 : i32
    %dma_wait3A_26 = tpu.memref_slice %arg4[%mul3A_19, %dma_wait3A_25] : memref<819200x128xf32, #tpu.memory_space<hbm>> -> memref<128x128xf32, #tpu.memory_space<hbm>>
    %dma_wait3A_27 = arith.constant 0 : i32
    %dma_wait3A_28 = tpu.memref_slice %arg4[%mul3A_19, %dma_wait3A_27] : memref<819200x128xf32, #tpu.memory_space<hbm>> -> memref<128x128xf32, #tpu.memory_space<hbm>>
    %dma_wait3A_29 = arith.constant 0 : i32
    %dma_wait3A_30 = arith.constant 0 : i32
    %dma_wait3A_31 = tpu.memref_slice %arg6[%dma_wait3A_20, %dma_wait3A_29, %dma_wait3A_30] : memref<5x128x128xf32, #tpu.memory_space<vmem>> -> memref<1x128x128xf32, #tpu.memory_space<vmem>>
    %dma_wait3A_32 = tpu.memref_squeeze %dma_wait3A_31 : memref<1x128x128xf32, #tpu.memory_space<vmem>> -> memref<128x128xf32, #tpu.memory_space<vmem>>
    tpu.wait_dma2 semaphore(%arg14 : memref<!tpu.dma_semaphore, #tpu.memory_space<semaphore_mem>>) src(%dma_wait3A_32 : memref<128x128xf32, #tpu.memory_space<vmem>>) dst(%dma_wait3A_28 : memref<128x128xf32, #tpu.memory_space<hbm>>)
    %add3A_33 = arith.constant 1 : i32
    %add3A_34 = arith.addi %mul3A_2, %add3A_33 : i32
    %mul3A_35 = arith.constant 128 : i32
    %mul3A_36 = arith.muli %add3A_34, %mul3A_35 : i32
    %dma_wait3A_37 = arith.constant 1 : i32
    %dma_wait3A_38 = arith.constant 0 : i32
    %dma_wait3A_39 = arith.constant 0 : i32
    %dma_wait3A_40 = tpu.memref_slice %arg6[%dma_wait3A_37, %dma_wait3A_38, %dma_wait3A_39] : memref<5x128x128xf32, #tpu.memory_space<vmem>> -> memref<1x128x128xf32, #tpu.memory_space<vmem>>
    %dma_wait3A_41 = tpu.memref_squeeze %dma_wait3A_40 : memref<1x128x128xf32, #tpu.memory_space<vmem>> -> memref<128x128xf32, #tpu.memory_space<vmem>>
    %dma_wait3A_42 = arith.constant 0 : i32
    %dma_wait3A_43 = tpu.memref_slice %arg4[%mul3A_36, %dma_wait3A_42] : memref<819200x128xf32, #tpu.memory_space<hbm>> -> memref<128x128xf32, #tpu.memory_space<hbm>>
    %dma_wait3A_44 = arith.constant 0 : i32
    %dma_wait3A_45 = tpu.memref_slice %arg4[%mul3A_36, %dma_wait3A_44] : memref<819200x128xf32, #tpu.memory_space<hbm>> -> memref<128x128xf32, #tpu.memory_space<hbm>>
    %dma_wait3A_46 = arith.constant 0 : i32
    %dma_wait3A_47 = arith.constant 0 : i32
    %dma_wait3A_48 = tpu.memref_slice %arg6[%dma_wait3A_37, %dma_wait3A_46, %dma_wait3A_47] : memref<5x128x128xf32, #tpu.memory_space<vmem>> -> memref<1x128x128xf32, #tpu.memory_space<vmem>>
    %dma_wait3A_49 = tpu.memref_squeeze %dma_wait3A_48 : memref<1x128x128xf32, #tpu.memory_space<vmem>> -> memref<128x128xf32, #tpu.memory_space<vmem>>
    tpu.wait_dma2 semaphore(%arg15 : memref<!tpu.dma_semaphore, #tpu.memory_space<semaphore_mem>>) src(%dma_wait3A_49 : memref<128x128xf32, #tpu.memory_space<vmem>>) dst(%dma_wait3A_45 : memref<128x128xf32, #tpu.memory_space<hbm>>)
    %add3A_50 = arith.constant 2 : i32
    %add3A_51 = arith.addi %mul3A_2, %add3A_50 : i32
    %mul3A_52 = arith.constant 128 : i32
    %mul3A_53 = arith.muli %add3A_51, %mul3A_52 : i32
    %dma_wait3A_54 = arith.constant 2 : i32
    %dma_wait3A_55 = arith.constant 0 : i32
    %dma_wait3A_56 = arith.constant 0 : i32
    %dma_wait3A_57 = tpu.memref_slice %arg6[%dma_wait3A_54, %dma_wait3A_55, %dma_wait3A_56] : memref<5x128x128xf32, #tpu.memory_space<vmem>> -> memref<1x128x128xf32, #tpu.memory_space<vmem>>
    %dma_wait3A_58 = tpu.memref_squeeze %dma_wait3A_57 : memref<1x128x128xf32, #tpu.memory_space<vmem>> -> memref<128x128xf32, #tpu.memory_space<vmem>>
    %dma_wait3A_59 = arith.constant 0 : i32
    %dma_wait3A_60 = tpu.memref_slice %arg4[%mul3A_53, %dma_wait3A_59] : memref<819200x128xf32, #tpu.memory_space<hbm>> -> memref<128x128xf32, #tpu.memory_space<hbm>>
    %dma_wait3A_61 = arith.constant 0 : i32
    %dma_wait3A_62 = tpu.memref_slice %arg4[%mul3A_53, %dma_wait3A_61] : memref<819200x128xf32, #tpu.memory_space<hbm>> -> memref<128x128xf32, #tpu.memory_space<hbm>>
    %dma_wait3A_63 = arith.constant 0 : i32
    %dma_wait3A_64 = arith.constant 0 : i32
    %dma_wait3A_65 = tpu.memref_slice %arg6[%dma_wait3A_54, %dma_wait3A_63, %dma_wait3A_64] : memref<5x128x128xf32, #tpu.memory_space<vmem>> -> memref<1x128x128xf32, #tpu.memory_space<vmem>>
    %dma_wait3A_66 = tpu.memref_squeeze %dma_wait3A_65 : memref<1x128x128xf32, #tpu.memory_space<vmem>> -> memref<128x128xf32, #tpu.memory_space<vmem>>
    tpu.wait_dma2 semaphore(%arg16 : memref<!tpu.dma_semaphore, #tpu.memory_space<semaphore_mem>>) src(%dma_wait3A_66 : memref<128x128xf32, #tpu.memory_space<vmem>>) dst(%dma_wait3A_62 : memref<128x128xf32, #tpu.memory_space<hbm>>)
    %add3A_67 = arith.constant 3 : i32
    %add3A_68 = arith.addi %mul3A_2, %add3A_67 : i32
    %mul3A_69 = arith.constant 128 : i32
    %mul3A_70 = arith.muli %add3A_68, %mul3A_69 : i32
    %dma_wait3A_71 = arith.constant 3 : i32
    %dma_wait3A_72 = arith.constant 0 : i32
    %dma_wait3A_73 = arith.constant 0 : i32
    %dma_wait3A_74 = tpu.memref_slice %arg6[%dma_wait3A_71, %dma_wait3A_72, %dma_wait3A_73] : memref<5x128x128xf32, #tpu.memory_space<vmem>> -> memref<1x128x128xf32, #tpu.memory_space<vmem>>
    %dma_wait3A_75 = tpu.memref_squeeze %dma_wait3A_74 : memref<1x128x128xf32, #tpu.memory_space<vmem>> -> memref<128x128xf32, #tpu.memory_space<vmem>>
    %dma_wait3A_76 = arith.constant 0 : i32
    %dma_wait3A_77 = tpu.memref_slice %arg4[%mul3A_70, %dma_wait3A_76] : memref<819200x128xf32, #tpu.memory_space<hbm>> -> memref<128x128xf32, #tpu.memory_space<hbm>>
    %dma_wait3A_78 = arith.constant 0 : i32
    %dma_wait3A_79 = tpu.memref_slice %arg4[%mul3A_70, %dma_wait3A_78] : memref<819200x128xf32, #tpu.memory_space<hbm>> -> memref<128x128xf32, #tpu.memory_space<hbm>>
    %dma_wait3A_80 = arith.constant 0 : i32
    %dma_wait3A_81 = arith.constant 0 : i32
    %dma_wait3A_82 = tpu.memref_slice %arg6[%dma_wait3A_71, %dma_wait3A_80, %dma_wait3A_81] : memref<5x128x128xf32, #tpu.memory_space<vmem>> -> memref<1x128x128xf32, #tpu.memory_space<vmem>>
    %dma_wait3A_83 = tpu.memref_squeeze %dma_wait3A_82 : memref<1x128x128xf32, #tpu.memory_space<vmem>> -> memref<128x128xf32, #tpu.memory_space<vmem>>
    tpu.wait_dma2 semaphore(%arg17 : memref<!tpu.dma_semaphore, #tpu.memory_space<semaphore_mem>>) src(%dma_wait3A_83 : memref<128x128xf32, #tpu.memory_space<vmem>>) dst(%dma_wait3A_79 : memref<128x128xf32, #tpu.memory_space<hbm>>)
    %add3A_84 = arith.constant 4 : i32
    %add3A_85 = arith.addi %mul3A_2, %add3A_84 : i32
    %mul3A_86 = arith.constant 128 : i32
    %mul3A_87 = arith.muli %add3A_85, %mul3A_86 : i32
    %dma_wait3A_88 = arith.constant 4 : i32
    %dma_wait3A_89 = arith.constant 0 : i32
    %dma_wait3A_90 = arith.constant 0 : i32
    %dma_wait3A_91 = tpu.memref_slice %arg6[%dma_wait3A_88, %dma_wait3A_89, %dma_wait3A_90] : memref<5x128x128xf32, #tpu.memory_space<vmem>> -> memref<1x128x128xf32, #tpu.memory_space<vmem>>
    %dma_wait3A_92 = tpu.memref_squeeze %dma_wait3A_91 : memref<1x128x128xf32, #tpu.memory_space<vmem>> -> memref<128x128xf32, #tpu.memory_space<vmem>>
    %dma_wait3A_93 = arith.constant 0 : i32
    %dma_wait3A_94 = tpu.memref_slice %arg4[%mul3A_87, %dma_wait3A_93] : memref<819200x128xf32, #tpu.memory_space<hbm>> -> memref<128x128xf32, #tpu.memory_space<hbm>>
    %dma_wait3A_95 = arith.constant 0 : i32
    %dma_wait3A_96 = tpu.memref_slice %arg4[%mul3A_87, %dma_wait3A_95] : memref<819200x128xf32, #tpu.memory_space<hbm>> -> memref<128x128xf32, #tpu.memory_space<hbm>>
    %dma_wait3A_97 = arith.constant 0 : i32
    %dma_wait3A_98 = arith.constant 0 : i32
    %dma_wait3A_99 = tpu.memref_slice %arg6[%dma_wait3A_88, %dma_wait3A_97, %dma_wait3A_98] : memref<5x128x128xf32, #tpu.memory_space<vmem>> -> memref<1x128x128xf32, #tpu.memory_space<vmem>>
    %dma_wait3A_100 = tpu.memref_squeeze %dma_wait3A_99 : memref<1x128x128xf32, #tpu.memory_space<vmem>> -> memref<128x128xf32, #tpu.memory_space<vmem>>
    tpu.wait_dma2 semaphore(%arg18 : memref<!tpu.dma_semaphore, #tpu.memory_space<semaphore_mem>>) src(%dma_wait3A_100 : memref<128x128xf32, #tpu.memory_space<vmem>>) dst(%dma_wait3A_96 : memref<128x128xf32, #tpu.memory_space<hbm>>)
    return
  }
}

module attributes {stable_mosaic.version = 14 : i64} {
  func.func @_pos_body(%arg0: i32, %arg1: memref<4096x200xi32, #tpu.memory_space<vmem>>, %arg2: memref<4096x200xi32, #tpu.memory_space<vmem>>) attributes {dimension_semantics = [#tpu.dimension_semantics<arbitrary>], iteration_bounds = array<i64: 1>, scalar_prefetch = 0 : i64, scratch_operands = 0 : i64, tpu.core_type = #tpu.core_type<tc>, window_params = [{transform_indices = @transform_0, window_bounds = array<i64: 4096, 200>}, {transform_indices = @transform_1, window_bounds = array<i64: 4096, 200>}]} {
    %get3A = arith.constant 0 : index
    %get3A_0 = arith.constant 0 : index
    %get3A_1 = vector.load %arg1[%get3A, %get3A_0] : memref<4096x200xi32, #tpu.memory_space<vmem>>, vector<4096x200xi32>
    %ne3A = arith.constant 0 : i32
    %ne3A_2 = vector.broadcast %ne3A : i32 to vector<4096x200xi32>
    %ne3A_3 = arith.cmpi ne, %get3A_1, %ne3A_2 : vector<4096x200xi32>
    %convert_element_type3A = arith.extui %ne3A_3 : vector<4096x200xi1> to vector<4096x200xi32>
    %convert_element_type3A_4 = arith.sitofp %convert_element_type3A : vector<4096x200xi32> to vector<4096x200xf32>
    %convert_element_type3A_5 = arith.truncf %convert_element_type3A_4 : vector<4096x200xf32> to vector<4096x200xbf16>
    %iota3A = tpu.iota {dimensions = array<i32: 0>} : vector<200x200xi32>
    %iota3A_6 = tpu.iota {dimensions = array<i32: 1>} : vector<200x200xi32>
    %le3A = arith.cmpi sle, %iota3A, %iota3A_6 : vector<200x200xi32>
    %convert_element_type3A_7 = arith.extui %le3A : vector<200x200xi1> to vector<200x200xi32>
    %convert_element_type3A_8 = arith.sitofp %convert_element_type3A_7 : vector<200x200xi32> to vector<200x200xf32>
    %convert_element_type3A_9 = arith.truncf %convert_element_type3A_8 : vector<200x200xf32> to vector<200x200xbf16>
    %dot_general3A = arith.constant dense<0.000000e+00> : vector<4096x200xf32>
    %dot_general3A_10 = tpu.matmul %convert_element_type3A_5, %convert_element_type3A_9, %dot_general3A {dimension_numbers = #tpu.dot_dimension_numbers<[1], [0], [0], [1], [0, 0, 1, 1], [], []>, transpose_lhs_hint = false} : vector<4096x200xbf16>, vector<200x200xbf16>, vector<4096x200xf32> -> vector<4096x200xf32>
    %convert_element_type3A_11 = arith.fptosi %dot_general3A_10 : vector<4096x200xf32> to vector<4096x200xi32>
    %jit3A = arith.constant 0 : i32
    %broadcast_in_dim3A = vector.broadcast %jit3A : i32 to vector<4096x200xi32>
    %select_n3A = arith.select %ne3A_3, %convert_element_type3A_11, %broadcast_in_dim3A : vector<4096x200xi1>, vector<4096x200xi32>
    %swap3A = arith.constant 0 : index
    %swap3A_12 = arith.constant 0 : index
    %swap3A_13 = vector.load %arg2[%swap3A, %swap3A_12] : memref<4096x200xi32, #tpu.memory_space<vmem>>, vector<4096x200xi32>
    tpu.vector_store %arg2[%swap3A, %swap3A_12], %select_n3A {strides = array<i32>} : memref<4096x200xi32, #tpu.memory_space<vmem>>, vector<4096x200xi32>,
    return
  }
  func.func @transform_0(%arg0: i32) -> (i32, i32) {
    %c0_i32 = arith.constant 0 : i32
    %c0_i32_0 = arith.constant 0 : i32
    return %arg0, %c0_i32 : i32, i32
  }
  func.func @transform_1(%arg0: i32) -> (i32, i32) {
    %c0_i32 = arith.constant 0 : i32
    %c0_i32_0 = arith.constant 0 : i32
    return %arg0, %c0_i32 : i32, i32
  }
}

</mosaic_0001>

<sc_bundles>
// kernel: kernel.4.cloned.1.call-start
scs
__scs_entry_jumppad:
0x0: {  	(pc) =	sbr.rel $0x88, $3  }
0x1: {  	(tag) =	ssettag $0x0;
	lr =	simm.s32 $0x1  }
0x2: {  	[smem:$0x3F9F] =	sst lr;
	_ =	strace $0xD0000000  }
0x3: {  	_ = 	snop  }
0x4: {  	_ = 	snop  }
0x5: {  	_ = 	snop  }
0x6: {  	_ = 	snop  }
0x7: {  	_ = 	snop  }
__scs_overlays_trampoline_lowered:
0x8: {  	[smem:$0x3FAE] =	sst s0  }
0x9: {  	[smem:$0x3FAF] =	sst s1  }
0xa: {  	[smem:$0x3FB0] =	sst s2  }
0xb: {  	[smem:$0x3FB1] =	sst s3  }
0xc: {  	[smem:$0x3FB2] =	sst s4  }
0xd: {  	[smem:$0x3FB3] =	sst s5  }
0xe: {  	[smem:$0x3FB4] =	sst s6  }
0xf: {  	[smem:$0x3FB5] =	sst s7  }
0x10: {  	[smem:$0x3FB6] =	sst s8  }
0x11: {  	[smem:$0x3FB7] =	sst s9;
	s0 =	simm.s32 @!p0 $0x0  }
0x12: {  	s1 =	sld [smem:$0x3F9D];
	s0 =	simm.s32 @p0 $0x1  }
0x13: {  	[smem:$0x3FB8] =	sst s0;
	s0 =	simm.s32 @!p1 $0x0  }
0x14: {  	s2 =	sld [smem:$0x3F9C];
	s0 =	simm.s32 @p1 $0x1  }
0x15: {  	[smem:$0x3FB9] =	sst s0;
	s0 =	simm.s32 @!p2 $0x0  }
0x16: {  	s3 =	sld [smem:$0x3FDB];
	s0 =	simm.s32 @p2 $0x1  }
0x17: {  	s4 =	simm.s32 $0x1BF5;
	[smem:$0x3FBB] =	sst s0  }
0x18: {  	s0 =	sld [smem:$0x3F9E];
	_ =	swait.ge [sflag:s4], $0x0  }
0x19: {  	s7 =	sld [smem:$0x3F9F]  }
0x1a: {  	s8 =	sadd.s32 $0xFFFFE003, lr  }
0x1b: {  	s9 =	sadd.s32 $0xFFFFFEF7, lr;
	s5 =	simm.s32 $0xFFFFFFFF;
	p2 =	slt.u32 s8, $0xFFFFF086  }
0x1c: {  	p1 =	slt.u32 s9, $0xF7A;
	s5 =	simm.s32 @!p2 $0x0  }
0x1d: {  	s5 =	simm.s32 @p1 $0x1;
	p0 =	seq.s32 s7, s2  }
0x1e: {  	s7 =	smul.u32 @!p0 $0xF7A, s2;
	p2 =	seq.s32 @!p0 s5, $0x0  }
0x1f: {  	s9 =	smul.u32 $0xF7A, s1;
	s8 =	simm.s32 @!p0 $0x1BF5;
	p2 =	por !p2, p0  }
0x20: {  	[sflag:s8] =	ssyncset.s32 @!p0 $0xFFFFF086;
	s6 =	sadd.s32 @!p0 s3, s7;
	s7 =	simm.s32 @!p0 $0x108  }
0x21: {  	s3 =	sadd.s32 s3, s9;
	s6 =	sadd.s32 @!p0 $0x88, s6;
	s7 =	simm.s32 @p2 $0x1082  }
0x22: {  	[simem:s7], [sflag:s8] =	dma.local @!p0 [hbm:s6], $0xF7A  }
0x23: {  	s9 =	sor.u32 $0xD0000000, s2;
	s6 =	simm.s32 $0x108;
	_ =	swait.ge @!p0 [sflag:s8], $0x0  }
0x24: {  	s3 =	sadd.s32 $0x88, s3;
	s6 =	simm.s32 @!p1 $0x1082;
	[sflag:s4] =	ssyncset.s32 $0xFFFFF086  }
0x25: {  	[simem:s6], [sflag:s4] =	dma.local [hbm:s3], $0xF7A  }
0x26: {  	[smem:$0x3F9F] =	sst s1;
	(tag) =	ssettag s2;
	_ =	strace s9  }
0x27: {  	s1 =	sld [smem:$0x3FAF]  }
0x28: {  	s2 =	sld [smem:$0x3FB0]  }
0x29: {  	s4 =	sld [smem:$0x3FB2]  }
0x2a: {  	p0 =	seq.s32 s5, $0x0;
	s5 =	sld [smem:$0x3FB3]  }
0x2b: {  	s6 =	sld [smem:$0x3FB4]  }
0x2c: {  	s7 =	sld [smem:$0x3FB5]  }
0x2d: {  	s3 =	simm.s32 $0x108;
	s8 =	sld [smem:$0x3FB6]  }
0x2e: {  	s3 =	simm.s32 @!p0 $0x1082;
	s9 =	sld [smem:$0x3FB7]  }
0x2f: {  	lr =	sadd.s32 s0, s3;
	s0 =	sld [smem:$0x3FAE]  }
0x30: {  	s3 =	sld [smem:$0x3FB1]  }
0x31: {  	[smem:$0x3FBA] =	sst s10  }
0x32: {  	s10 =	sld [smem:$0x3FB8];
	_ =	sdelay $0x3  }
0x33: {  	p0 =	seq.s32 s10, $0x1;
	s10 =	sld [smem:$0x3FBA];
	_ =	sdelay $0x3  }
0x34: {  	[smem:$0x3FBA] =	sst s10  }
0x35: {  	s10 =	sld [smem:$0x3FB9];
	_ =	sdelay $0x3  }
0x36: {  	p1 =	seq.s32 s10, $0x1;
	s10 =	sld [smem:$0x3FBA];
	_ =	sdelay $0x3  }
0x37: {  	[smem:$0x3FBA] =	sst s10  }
0x38: {  	s10 =	sld [smem:$0x3FBB]  }
0x39: {  	_ = 	snop;
	(pc) =	sbr.ind lr, $3  }
0x3a: {  	_ = 	snop  }
0x3b: {  	_ = 	snop  }
0x3c: {  	p2 =	seq.s32 s10, $0x1;
	s10 =	sld [smem:$0x3FBA]  }
0x3d: {  	_ =	shalt  }
0x3e: {  	_ =	shalt  }
0x3f: {  	_ =	shalt  }
0x40: {  	_ =	shalt  }
0x41: {  	_ =	shalt  }
0x42: {  	_ =	shalt  }
0x43: {  	_ =	shalt  }
0x44: {  	_ =	shalt  }
0x45: {  	_ =	shalt  }
0x46: {  	_ =	shalt  }
0x47: {  	_ =	shalt  }
0x48: {  	_ =	shalt  }
0x49: {  	_ =	shalt  }
0x4a: {  	_ =	shalt  }
0x4b: {  	_ =	shalt  }
0x4c: {  	_ =	shalt  }
0x4d: {  	_ =	shalt  }
0x4e: {  	_ =	shalt  }
0x4f: {  	_ =	shalt  }
0x50: {  	_ =	shalt  }
0x51: {  	_ =	shalt  }
0x52: {  	_ =	shalt  }
0x53: {  	_ =	shalt  }
0x54: {  	_ =	shalt  }
0x55: {  	_ =	shalt  }
0x56: {  	_ =	shalt  }
0x57: {  	_ =	shalt  }
0x58: {  	_ =	shalt  }
0x59: {  	_ =	shalt  }
0x5a: {  	_ =	shalt  }
0x5b: {  	_ =	shalt  }
0x5c: {  	_ =	shalt  }
0x5d: {  	_ =	shalt  }
0x5e: {  	_ =	shalt  }
0x5f: {  	_ =	shalt  }
0x60: {  	_ =	shalt  }
0x61: {  	_ =	shalt  }
0x62: {  	_ =	shalt  }
0x63: {  	_ =	shalt  }
0x64: {  	_ =	shalt  }
0x65: {  	_ =	shalt  }
0x66: {  	_ =	shalt  }
0x67: {  	_ =	shalt  }
0x68: {  	_ =	shalt  }
0x69: {  	_ =	shalt  }
0x6a: {  	_ =	shalt  }
0x6b: {  	_ =	shalt  }
0x6c: {  	_ =	shalt  }
0x6d: {  	_ =	shalt  }
0x6e: {  	_ =	shalt  }
0x6f: {  	_ =	shalt  }
0x70: {  	_ =	shalt  }
0x71: {  	_ =	shalt  }
0x72: {  	_ =	shalt  }
0x73: {  	_ =	shalt  }
0x74: {  	_ =	shalt  }
0x75: {  	_ =	shalt  }
0x76: {  	_ =	shalt  }
0x77: {  	_ =	shalt  }
0x78: {  	_ =	shalt  }
0x79: {  	_ =	shalt  }
0x7a: {  	_ =	shalt  }
0x7b: {  	_ =	shalt  }
0x7c: {  	_ =	shalt  }
0x7d: {  	_ =	shalt  }
0x7e: {  	_ =	shalt  }
0x7f: {  	_ =	shalt  }
0x80: {  	_ =	shalt  }
0x81: {  	_ =	shalt  }
0x82: {  	_ =	shalt  }
0x83: {  	_ =	shalt  }
0x84: {  	_ =	shalt  }
0x85: {  	_ =	shalt  }
0x86: {  	_ =	shalt  }
0x87: {  	_ =	shalt  }
.Lfunc_end0:
.L_simem_size_0:
called_computation_lowered:
.L_overlay_start_0:
0x88: {  	s2 =	sld [smem:$0x3FD9]  }
0x89: {  	s3 =	sld [smem:$0x3FFE];
	_ =	sdelay $0x1  }
0x8a: {  	s1 =	srdreg.scid  }
0x8b: {  	s0 =	sand.u32 $0x1, s1  }
0x8c: {  	s17 =	sshll.u32 s0, $0xA;
	s2 =	sadd.s32 s3, s2  }
0x8d: {  	s2 =	sadd.s32 s2, s17  }
0x8e: {  	[smem:$0x3FC6] =	sst s2  }
0x8f: {  	_ = 	snop  }
0x90: {  	s2 =	sld [smem:$0x3FC8]  }
0x91: {  	s18 =	sld [smem:$0x3FD0];
	(tm) =	ssettm $0x1  }
0x92: {  	s4 =	sld [smem:$0x3FFB];
	_ =	sdelay $0x3  }
0x93: {  	_ =	strace s4  }
0x94: {  	s4 =	sld [smem:$0x3FFC];
	_ =	sdelay $0x3  }
0x95: {  	_ =	strace s4  }
0x96: {  	s4 =	sld [smem:$0x3FFD];
	_ =	sdelay $0x3  }
0x97: {  	_ =	strace s4  }
0x98: {  	_ =	strace $0x8FFFFFFF  }
0x99: {  	s19 =	sld [smem:$0x3FDB];
	_ =	sdelay $0x1  }
0x9a: {  	s5 =	simm.s32 $_scs_section_size  }
0x9b: {  	s6 =	simm.s32 $_size__tile_overlayer_lowered;
	s7 =	simm.s32 $_tile_overlayer_lowered  }
0x9c: {  	s22 =	simm.s32 $0x1BFF;
	s21 =	sshll.u32 s7, $0x1;
	s4 =	sadd.s32 s5, s19  }
0x9d: {  	s8 =	simm.s32 $0x0;
	s20 =	sshll.u32 s6, $0x1;
	s6 =	sadd.s32 s21, s4  }
0x9e: {  	[timem:s8], [sflag:s22] =	dma.local [hbm:s6], s20  }
0x9f: {  	_ =	swait.ge [sflag:s22], s20  }
0xa0: {  	s5 =	ssub.s32 $0x0, s20;
	[sflag:s22] =	ssyncset.done $0x0  }
0xa1: {  	[sflag:s22] =	ssyncadd.s32 s5;
	_ =	sdelay $0x1  }
0xa2: {  	s23 =	simm.s32 $0x1B8B  }
0xa3: {  	_ =	swait.ge [sflag:s23], $0x1  }
0xa4: {  	[sflag:s23] =	ssyncset.done $0x0  }
0xa5: {  	s25 =	simm.s32 $0x1B8E;
	s24 =	sld [smem:$0x3FFE];
	[sflag:s23] =	ssyncadd.s32 $0xFFFFFFFF  }
0xa6: {  	s26 =	simm.s32 $execute0_lowered;
	[smem:$0x3FD2] =	sst s25  }
0xa7: {  	s6 =	sshll.u32 s26, $0x1;
	_ =	strace $0x80000046;
	[dreg:$0x1] =	wrdreg $0xFFFFFFFF  }
0xa8: {  	s28 =	simm.s32 $_size_execute0_lowered;
	s4 =	sadd.s32 s4, s6;
	[dreg:$0x0] =	wrdreg $0x0  }
0xa9: {  	s6 =	sshll.u32 s28, $0x1;
	[dreg:$0x2] =	wrdreg s4  }
0xaa: {  	[dreg:$0x3] =	wrdreg s6  }
0xab: {  	[dreg:$0x4] =	wrdreg $0xC0  }
0xac: {  	_ =	task [dreg:s8], $0x5FFFF  }
0xad: {  	[dreg:$0x1] =	wrdreg $0xFFFFFFFF  }
0xae: {  	[dreg:$0x0] =	wrdreg $0x60  }
0xaf: {  	[dreg:$0x2] =	wrdreg s24  }
0xb0: {  	[dreg:$0x3] =	wrdreg s2  }
0xb1: {  	[dreg:$0x4] =	wrdreg s18  }
0xb2: {  	[dreg:$0x5] =	wrdreg $0x1A4000  }
0xb3: {  	[dreg:$0x6] =	wrdreg $0x9  }
0xb4: {  	_ =	task.clear_ibuf [dreg:s8], $0x7FFFF;
	_ =	strace $0x90000046  }
0xb5: {  	s29 =	simm.s32 $0x9;
	_ =	strace $0x80000048  }
0xb6: {  	_ =	swait.ge [sflag:s29], $0x1  }
0xb7: {  	[sflag:s29] =	ssyncadd.s32 $0xFFFFFFFF  }
0xb8: {  	_ =	strace $0x90000048  }
0xb9: {  	_ =	sfence  }
0xba: {  	s30 =	sld [smem:$0x0];
	_ =	sdelay $0x2  }
0xbb: {  	s31 =	sshll.u32 s1, $0xD;
	s1 =	sshrl.u32 s1, $0x2  }
0xbc: {  	s3 =	sand.u32 $0x4000, s31;
	s1 =	sadd.s32 s1, s30  }
0xbd: {  	s0 =	sor.u32 s3, s0;
	s1 =	sshll.u32 s1, $0x11  }
0xbe: {  	s0 =	sor.u32 s1, s0  }
0xbf: {  	s0 =	sadd.s32 $0x8F2B, s0  }
0xc0: {  	[sflag:s0] =	ssyncadd.remote.s32 $0x1  }
0xc1: {  	_ =	sfence.sel $0xFFFF  }
0xc2: {  	[dreg:$0x0] =	wrdreg $0xFFFFFFFF;
	(pc) =	sbr.abs _section_cstart, $3  }
0xc3: {  	[dreg:$0x1] =	wrdreg $0xFFFFFFFF  }
0xc4: {  	_ =	task.clear_ibuf [dreg:s8], $0x2FFFF;
	_ =	strace $0x9FFFFFFF  }
0xc5: {  	(tm) =	ssettm $0x7FFFFFFF  }
tec
execute0_lowered:
.L_overlay_start_1:
0x0: {  	(tag) =	ssettag $0x1  }
0x1: {  	s4 =	rddreg [dreg:$0x0]  }
0x2: {  	s1 =	srdreg.scid;
	s0 =	rddreg [dreg:$0x1]  }
0x3: {  	s6 =	stileid.u32;
	s7 =	rddreg [dreg:$0x2]  }
0x4: {  	s2 =	rddreg [dreg:$0x3];
	s3 =	simm.s32 $0x0;
	s29 =	simm.s32 $0x80  }
0x5: {  	s30 =	simm.s32 $0x6400;
	s31 =	simm.s32 $0xA400;
	s12 =	simm.s32 $0xE400  }
0x6: {  	s13 =	simm.s32 $0x12400;
	s14 =	simm.s32 $0x7;
	s15 =	simm.s32 $0x8  }
0x7: {  	s16 =	simm.s32 $0x9;
	s17 =	simm.s32 $0xA;
	s18 =	simm.s32 $0xB  }
0x8: {  	s5 =	sand.u32 $0x1, s1;
	s25 =	sshll.u32 s6, $0x1;
	s9 =	smul.u32 $0x190, s6  }
0x9: {  	[smem:$0x7FF] =	sst s3;
	s28 =	smul.u32 $0xC8000, s6;
	s1 =	sor.u32 s5, s25  }
0xa: {  	s19 =	simm.s32 $0x0;
	s8 =	smul.u32 $0xC80, s1;
	s1 =	rddreg [dreg:$0x4]  }
0xb: {  	p0 =	sne.s32 s6, $0x0;
	_ =	strace $0x80000047;
	[dreg:$0x5] =	wrdreg s29  }
0xc: {  	s10 =	smul.u32 $0xC8, s5;
	s26 =	ssub.s32 $0x2, s5;
	[dreg:$0x7] =	wrdreg s30  }
0xd: {  	s5 =	smul.u32 $0x64000, s5;
	s6 =	sshrl.u32 @!p0 s2, $0x3;
	[dreg:$0x9] =	wrdreg s31  }
0xe: {  	s11 =	sshrl.u32 s26, $0x1;
	[dreg:$0xa] =	wrdreg s12;
	s12 =	simm.s32 $0x5  }
0xf: {  	[dreg:$0xb] =	wrdreg s13;
	s13 =	simm.s32 $0x6;
	s9 =	sadd.s32 s10, s9  }
0x10: {  	s10 =	simm.s32 $0x3;
	s4 =	sadd.s32 s8, s4;
	s9 =	sshll.u32 s9, $0xB  }
0x11: {  	s8 =	ssub.s32 s26, s11;
	s11 =	simm.s32 $0x4;
	s9 =	sadd.s32 s9, s7  }
0x12: {  	s7 =	sadd.s32 s28, s7;
	s4 =	sadd.s32 $0x400, s4;
	[dreg:$0x8] =	wrdreg s9  }
0x13: {  	s7 =	sadd.s32 s5, s7;
	s5 =	smax.u32 s8, $0x1;
	s8 =	simm.s32 $0x16400  }
0x14: {  	s9 =	simm.s32 $0x2;
	[dreg:$0x6] =	wrdreg s7;
	s7 =	simm.s32 $0x1  }
.LBB2_1:
0x15: {  	s20 =	simm.s32 @!p0 $0x1C0C  }
0x16: {  	[spmem:s6], [sflag:s20] =	dma.local @!p0 [hbm:s0], $0x1000  }
0x17: {  	s20 =	simm.s32 @!p0 $0xC  }
0x18: {  	_ =	swait.ge @!p0 [sflag:s20], $0x1000  }
0x19: {  	[sflag:s20] =	ssyncset.done @!p0 $0x0  }
0x1a: {  	[sflag:s20] =	ssyncadd.s32 @!p0 $0xFFFFF000  }
0x1b: {  	[tilespmem:s3], [sflag:$0x1] =	stream.linear.gather [hbm4b:s4+s3], $0x6400, $0x38;
	[tilespmem:$0x1AC00] =	vst v63  }
0x1c: {  	p1 =	por $0x1, $0x1;
	_ =	swait.ge [sflag:s7], $0x6400  }
0x1d: {  	p2 =	por p1, p1;
	[sflag:s7] =	ssyncset.done $0x0  }
0x1e: {  	s21 =	simm.s32 @p2 $0x0;
	[sflag:s7] =	ssyncadd.s32 $0xFFFF9C00  }
0x1f: {  	s22 =	simm.s32 @p2 $0x6400;
	s20 =	simm.s32 @p2 $0x80;
	[bflag:$0x0] =	sbarrier.arrive $0xFFFF  }
0x20: {  	[tilespmem:s22], [sflag:$0x2] =	stream.indirect.gather @p2 [spmem:s2], $0x80, s21, s20, $0xb8;
	[tilespmem:$0x1AC00] =	vst v63  }
0x21: {  	s21 =	simm.s32 @p2 $0xA400  }
0x22: {  	[tilespmem:s21], [sflag:$0x3] =	stream.indirect.gather @p2 [spmem:s2], $0x80, s20, s20, $0xb8;
	[tilespmem:$0x1AC00] =	vst v63  }
0x23: {  	s22 =	simm.s32 @p2 $0xE400;
	s21 =	simm.s32 @p2 $0x100  }
0x24: {  	[tilespmem:s22], [sflag:$0x4] =	stream.indirect.gather @p2 [spmem:s2], $0x80, s21, s20, $0xb8;
	[tilespmem:$0x1AC00] =	vst v63  }
0x25: {  	s23 =	simm.s32 @!p2 $0x7;
	s21 =	simm.s32 @p2 $0x180;
	s22 =	simm.s32 @p2 $0x12400  }
0x26: {  	[tilespmem:s22], [sflag:$0x5] =	stream.indirect.gather @p2 [spmem:s2], $0x80, s21, s20, $0xb8;
	[tilespmem:$0x1AC00] =	vst v63  }
0x27: {  	_ =	swait.ge @!p2 [sflag:s23], $0x4000  }
0x28: {  	s20 =	simm.s32 @!p2 $0x8;
	[sflag:s23] =	ssyncset.done @!p2 $0x0  }
0x29: {  	s21 =	simm.s32 @!p2 $0x80;
	s22 =	simm.s32 @!p2 $0x6400;
	[sflag:s23] =	ssyncadd.s32 @!p2 $0xFFFFC000  }
0x2a: {  	[tilespmem:s22], [sflag:$0x2] =	stream.indirect.gather @!p2 [spmem:s2], $0x80, s3, s21, $0xb8;
	[tilespmem:$0x1AC00] =	vst v63  }
0x2b: {  	_ =	swait.ge @!p2 [sflag:s20], $0x4000  }
0x2c: {  	s23 =	simm.s32 @!p2 $0xA400;
	[sflag:s20] =	ssyncset.done @!p2 $0x0  }
0x2d: {  	s22 =	simm.s32 @!p2 $0x9;
	[sflag:s20] =	ssyncadd.s32 @!p2 $0xFFFFC000;
	s20 =	simm.s32 @!p2 $0x80  }
0x2e: {  	[tilespmem:s23], [sflag:$0x3] =	stream.indirect.gather @!p2 [spmem:s2], $0x80, s20, s21, $0xb8;
	[tilespmem:$0x1AC00] =	vst v63  }
0x2f: {  	_ =	swait.ge @!p2 [sflag:s22], $0x4000  }
0x30: {  	s20 =	simm.s32 @!p2 $0xA;
	[sflag:s22] =	ssyncset.done @!p2 $0x0  }
0x31: {  	s23 =	simm.s32 @!p2 $0xE400;
	[sflag:s22] =	ssyncadd.s32 @!p2 $0xFFFFC000;
	s22 =	simm.s32 @!p2 $0x100  }
0x32: {  	[tilespmem:s23], [sflag:$0x4] =	stream.indirect.gather @!p2 [spmem:s2], $0x80, s22, s21, $0xb8;
	[tilespmem:$0x1AC00] =	vst v63  }
0x33: {  	_ =	swait.ge @!p2 [sflag:s20], $0x4000  }
0x34: {  	s22 =	simm.s32 @!p2 $0xB;
	[sflag:s20] =	ssyncset.done @!p2 $0x0  }
0x35: {  	s23 =	simm.s32 @!p2 $0x12400;
	[sflag:s20] =	ssyncadd.s32 @!p2 $0xFFFFC000;
	s20 =	simm.s32 @!p2 $0x180  }
0x36: {  	[tilespmem:s23], [sflag:$0x5] =	stream.indirect.gather @!p2 [spmem:s2], $0x80, s20, s21, $0xb8;
	[tilespmem:$0x1AC00] =	vst v63  }
0x37: {  	s20 =	simm.s32 $0x0;
	_ =	swait.ge @!p2 [sflag:s22], $0x4000  }
0x38: {  	s20 =	simm.s32 @p1 $0x0;
	[sflag:s22] =	ssyncset.done @!p2 $0x0  }
0x39: {  	s31 =	rddreg [dreg:$0x5];
	s20 =	sadd.s32 $0x200, s20;
	[sflag:s22] =	ssyncadd.s32 @!p2 $0xFFFFC000  }
0x3a: {  	[tilespmem:s8], [sflag:$0x6] =	stream.indirect.gather [spmem:s2], $0x80, s20, s31, $0xb8;
	[tilespmem:$0x1AC00] =	vst v63  }
0x3b: {  	_ =	swait.ge [sflag:s9], $0x4000  }
0x3c: {  	s23 =	rddreg [dreg:$0x6];
	[sflag:s9] =	ssyncset.done $0x0  }
0x3d: {  	s24 =	rddreg [dreg:$0x7];
	[sflag:s9] =	ssyncadd.s32 $0xFFFFC000;
	s20 =	sadd.s32 $0x0, s23  }
0x3e: {  	[hbm4b:s20+s3] =	stream.linear.scatter [tilespmem:s24], [sflag:$0x7], $0x4000, $0x38;
	[tilespmem:$0x1AC00] =	vst v63  }
0x3f: {  	_ =	swait.ge [sflag:s10], $0x4000  }
0x40: {  	s25 =	rddreg [dreg:$0x8]  }
0x41: {  	[sflag:s10] =	ssyncset.done $0x0;
	s25 =	sadd.s32 $0x0, s25  }
0x42: {  	s26 =	rddreg [dreg:$0x9];
	[sflag:s10] =	ssyncadd.s32 $0xFFFFC000;
	s20 =	sadd.s32 $0x800, s25  }
0x43: {  	[hbm4b:s20+s3] =	stream.linear.scatter [tilespmem:s26], [sflag:$0x8], $0x4000, $0x38;
	[tilespmem:$0x1AC00] =	vst v63  }
0x44: {  	_ =	swait.ge [sflag:s11], $0x4000  }
0x45: {  	[sflag:s11] =	ssyncset.done $0x0  }
0x46: {  	s29 =	sadd.s32 $0x1000, s25;
	s28 =	rddreg [dreg:$0xa];
	[sflag:s11] =	ssyncadd.s32 $0xFFFFC000  }
0x47: {  	[hbm4b:s29+s3] =	stream.linear.scatter [tilespmem:s28], [sflag:$0x9], $0x4000, $0x38;
	[tilespmem:$0x1AC00] =	vst v63  }
0x48: {  	s21 =	simm.s32 $0x280;
	p1 =	por $0x0, $0x0;
	_ =	swait.ge [sflag:s12], $0x4000  }
0x49: {  	s21 =	simm.s32 @p1 $0x0;
	[sflag:s12] =	ssyncset.done $0x0  }
0x4a: {  	s31 =	sadd.s32 $0x1800, s25;
	s30 =	rddreg [dreg:$0xb];
	[sflag:s12] =	ssyncadd.s32 $0xFFFFC000  }
0x4b: {  	[hbm4b:s31+s3] =	stream.linear.scatter [tilespmem:s30], [sflag:$0xA], $0x4000, $0x38;
	[tilespmem:$0x1AC00] =	vst v63  }
0x4c: {  	p1 =	por p1, p1;
	s22 =	simm.s32 $0x280;
	_ =	swait.ge [sflag:s13], $0x4000  }
0x4d: {  	s23 =	simm.s32 $0x5000;
	s24 =	simm.s32 $0x500;
	[sflag:s13] =	ssyncset.done $0x0  }
0x4e: {  	s25 =	sadd.s32 $0x2000, s25;
	s20 =	simm.s32 $0x2800;
	[sflag:s13] =	ssyncadd.s32 $0xFFFFC000  }
.LBB2_2:
0x4f: {  	[hbm4b:s25+s3] =	stream.linear.scatter [tilespmem:s8], [sflag:$0xB], $0x4000, $0x38;
	[tilespmem:$0x1AC00] =	vst v63  }
0x50: {  	s28 =	simm.s32 @p1 $0x80;
	s26 =	simm.s32 @p1 $0x0;
	s29 =	simm.s32 @p1 $0x6400  }
0x51: {  	[tilespmem:s29], [sflag:$0x2] =	stream.indirect.gather @p1 [spmem:s2], $0x80, s26, s28, $0xb8;
	[tilespmem:$0x1AC00] =	vst v63  }
0x52: {  	s26 =	simm.s32 @p1 $0xA400  }
0x53: {  	[tilespmem:s26], [sflag:$0x3] =	stream.indirect.gather @p1 [spmem:s2], $0x80, s28, s28, $0xb8;
	[tilespmem:$0x1AC00] =	vst v63  }
0x54: {  	s30 =	simm.s32 @p1 $0xE400;
	s29 =	simm.s32 @p1 $0x100  }
0x55: {  	[tilespmem:s30], [sflag:$0x4] =	stream.indirect.gather @p1 [spmem:s2], $0x80, s29, s28, $0xb8;
	[tilespmem:$0x1AC00] =	vst v63  }
0x56: {  	s31 =	simm.s32 @!p1 $0x7;
	s29 =	simm.s32 @p1 $0x180;
	s30 =	simm.s32 @p1 $0x12400  }
0x57: {  	[tilespmem:s30], [sflag:$0x5] =	stream.indirect.gather @p1 [spmem:s2], $0x80, s29, s28, $0xb8;
	[tilespmem:$0x1AC00] =	vst v63  }
0x58: {  	_ =	swait.ge @!p1 [sflag:s31], $0x4000  }
0x59: {  	s28 =	simm.s32 @!p1 $0x8;
	[sflag:s31] =	ssyncset.done @!p1 $0x0  }
0x5a: {  	s29 =	simm.s32 @!p1 $0x80;
	s30 =	simm.s32 @!p1 $0x6400;
	[sflag:s31] =	ssyncadd.s32 @!p1 $0xFFFFC000  }
0x5b: {  	[tilespmem:s30], [sflag:$0x2] =	stream.indirect.gather @!p1 [spmem:s2], $0x80, s22, s29, $0xb8;
	[tilespmem:$0x1AC00] =	vst v63  }
0x5c: {  	_ =	swait.ge @!p1 [sflag:s28], $0x4000  }
0x5d: {  	s31 =	simm.s32 @!p1 $0xA400;
	[sflag:s28] =	ssyncset.done @!p1 $0x0  }
0x5e: {  	s30 =	simm.s32 @!p1 $0x9;
	[sflag:s28] =	ssyncadd.s32 @!p1 $0xFFFFC000;
	s28 =	sadd.s32 @!p1 $0x80, s22  }
0x5f: {  	[tilespmem:s31], [sflag:$0x3] =	stream.indirect.gather @!p1 [spmem:s2], $0x80, s28, s29, $0xb8;
	[tilespmem:$0x1AC00] =	vst v63  }
0x60: {  	_ =	swait.ge @!p1 [sflag:s30], $0x4000  }
0x61: {  	s28 =	simm.s32 @!p1 $0xA;
	[sflag:s30] =	ssyncset.done @!p1 $0x0  }
0x62: {  	s31 =	simm.s32 @!p1 $0xE400;
	[sflag:s30] =	ssyncadd.s32 @!p1 $0xFFFFC000;
	s30 =	sadd.s32 @!p1 $0x100, s22  }
0x63: {  	[tilespmem:s31], [sflag:$0x4] =	stream.indirect.gather @!p1 [spmem:s2], $0x80, s30, s29, $0xb8;
	[tilespmem:$0x1AC00] =	vst v63  }
0x64: {  	_ =	swait.ge @!p1 [sflag:s28], $0x4000  }
0x65: {  	s22 =	sadd.s32 @!p1 $0x180, s22;
	[sflag:s28] =	ssyncset.done @!p1 $0x0  }
0x66: {  	s30 =	simm.s32 @!p1 $0xB;
	[sflag:s28] =	ssyncadd.s32 @!p1 $0xFFFFC000;
	s28 =	simm.s32 @!p1 $0x12400  }
0x67: {  	[tilespmem:s28], [sflag:$0x5] =	stream.indirect.gather @!p1 [spmem:s2], $0x80, s22, s29, $0xb8;
	[tilespmem:$0x1AC00] =	vst v63  }
0x68: {  	s25 =	smov.u32 s23;
	_ =	swait.ge @!p1 [sflag:s30], $0x4000  }
0x69: {  	p3 =	seq.s32 s25, $0x0;
	s26 =	smov.u32 s24;
	[sflag:s30] =	ssyncset.done @!p1 $0x0  }
0x6a: {  	s31 =	sadd.s32 $0x200, s21;
	s28 =	rddreg [dreg:$0x5];
	[sflag:s30] =	ssyncadd.s32 @!p1 $0xFFFFC000  }
0x6b: {  	[tilespmem:s8], [sflag:$0x6] =	stream.indirect.gather [spmem:s2], $0x80, s31, s28, $0xb8;
	[tilespmem:$0x1AC00] =	vst v63  }
0x6c: {  	s26 =	simm.s32 @p3 $0x0;
	_ =	swait.ge [sflag:s9], $0x4000  }
0x6d: {  	s21 =	smov.u32 s26;
	s29 =	rddreg [dreg:$0x6];
	[sflag:s9] =	ssyncset.done $0x0  }
0x6e: {  	s30 =	rddreg [dreg:$0x7];
	[sflag:s9] =	ssyncadd.s32 $0xFFFFC000;
	s26 =	sadd.s32 s20, s29  }
0x6f: {  	[hbm4b:s26+s3] =	stream.linear.scatter [tilespmem:s30], [sflag:$0x7], $0x4000, $0x38;
	[tilespmem:$0x1AC00] =	vst v63  }
0x70: {  	_ =	swait.ge [sflag:s10], $0x4000  }
0x71: {  	s31 =	rddreg [dreg:$0x8]  }
0x72: {  	[sflag:s10] =	ssyncset.done $0x0;
	s26 =	sadd.s32 s20, s31  }
0x73: {  	s29 =	rddreg [dreg:$0x9];
	[sflag:s10] =	ssyncadd.s32 $0xFFFFC000;
	s30 =	sadd.s32 $0x800, s26  }
0x74: {  	[hbm4b:s30+s3] =	stream.linear.scatter [tilespmem:s29], [sflag:$0x8], $0x4000, $0x38;
	[tilespmem:$0x1AC00] =	vst v63  }
0x75: {  	_ =	swait.ge [sflag:s11], $0x4000  }
0x76: {  	[sflag:s11] =	ssyncset.done $0x0  }
0x77: {  	s29 =	sadd.s32 $0x1000, s26;
	s31 =	rddreg [dreg:$0xa];
	[sflag:s11] =	ssyncadd.s32 $0xFFFFC000  }
0x78: {  	[hbm4b:s29+s3] =	stream.linear.scatter [tilespmem:s31], [sflag:$0x9], $0x4000, $0x38;
	[tilespmem:$0x1AC00] =	vst v63  }
0x79: {  	s23 =	sadd.s32 $0x2800, s23;
	_ =	swait.ge [sflag:s12], $0x4000  }
0x7a: {  	p2 =	sne.s32 s23, $0x64000;
	s31 =	sadd.s32 $0x1800, s26;
	[sflag:s12] =	ssyncset.done $0x0  }
.Ltmp0:
0x7b: {  	s30 =	rddreg [dreg:$0xb];
	[sflag:s12] =	ssyncadd.s32 $0xFFFFC000;
	(pc) =	sbr.rel @p2 .LBB2_2-.Ltmp0, $4  }
0x7c: {  	[hbm4b:s31+s3] =	stream.linear.scatter [tilespmem:s30], [sflag:$0xA], $0x4000, $0x38;
	[tilespmem:$0x1AC00] =	vst v63  }
0x7d: {  	s22 =	smov.u32 s24;
	_ =	swait.ge [sflag:s13], $0x4000  }
0x7e: {  	s24 =	sadd.s32 $0x280, s24;
	p1 =	por p3, p3;
	[sflag:s13] =	ssyncset.done $0x0  }
0x7f: {  	s20 =	smov.u32 s25;
	s25 =	sadd.s32 $0x2000, s26;
	[sflag:s13] =	ssyncadd.s32 $0xFFFFC000  }
0x80: {  	[hbm4b:s25+s3] =	stream.linear.scatter [tilespmem:s8], [sflag:$0xB], $0x4000, $0x38;
	[tilespmem:$0x1AC00] =	vst v63  }
0x81: {  	s23 =	simm.s32 @p1 $0x80;
	s24 =	simm.s32 @p1 $0x0;
	s25 =	simm.s32 @p1 $0x6400  }
0x82: {  	[tilespmem:s25], [sflag:$0x2] =	stream.indirect.gather @p1 [spmem:s2], $0x80, s24, s23, $0xb8;
	[tilespmem:$0x1AC00] =	vst v63  }
0x83: {  	s24 =	simm.s32 @p1 $0xA400  }
0x84: {  	[tilespmem:s24], [sflag:$0x3] =	stream.indirect.gather @p1 [spmem:s2], $0x80, s23, s23, $0xb8;
	[tilespmem:$0x1AC00] =	vst v63  }
0x85: {  	s25 =	simm.s32 @p1 $0xE400;
	s24 =	simm.s32 @p1 $0x100  }
0x86: {  	[tilespmem:s25], [sflag:$0x4] =	stream.indirect.gather @p1 [spmem:s2], $0x80, s24, s23, $0xb8;
	[tilespmem:$0x1AC00] =	vst v63  }
0x87: {  	s26 =	simm.s32 @!p1 $0x7;
	s24 =	simm.s32 @p1 $0x180;
	s25 =	simm.s32 @p1 $0x12400  }
0x88: {  	[tilespmem:s25], [sflag:$0x5] =	stream.indirect.gather @p1 [spmem:s2], $0x80, s24, s23, $0xb8;
	[tilespmem:$0x1AC00] =	vst v63  }
0x89: {  	_ =	swait.ge @!p1 [sflag:s26], $0x4000  }
0x8a: {  	s23 =	simm.s32 @!p1 $0x8;
	[sflag:s26] =	ssyncset.done @!p1 $0x0  }
0x8b: {  	s24 =	simm.s32 @!p1 $0x80;
	s25 =	simm.s32 @!p1 $0x6400;
	[sflag:s26] =	ssyncadd.s32 @!p1 $0xFFFFC000  }
0x8c: {  	[tilespmem:s25], [sflag:$0x2] =	stream.indirect.gather @!p1 [spmem:s2], $0x80, s22, s24, $0xb8;
	[tilespmem:$0x1AC00] =	vst v63  }
0x8d: {  	_ =	swait.ge @!p1 [sflag:s23], $0x4000  }
0x8e: {  	s26 =	simm.s32 @!p1 $0xA400;
	[sflag:s23] =	ssyncset.done @!p1 $0x0  }
0x8f: {  	s25 =	simm.s32 @!p1 $0x9;
	[sflag:s23] =	ssyncadd.s32 @!p1 $0xFFFFC000;
	s23 =	sadd.s32 @!p1 $0x80, s22  }
0x90: {  	[tilespmem:s26], [sflag:$0x3] =	stream.indirect.gather @!p1 [spmem:s2], $0x80, s23, s24, $0xb8;
	[tilespmem:$0x1AC00] =	vst v63  }
0x91: {  	_ =	swait.ge @!p1 [sflag:s25], $0x4000  }
0x92: {  	s23 =	simm.s32 @!p1 $0xA;
	[sflag:s25] =	ssyncset.done @!p1 $0x0  }
0x93: {  	s26 =	simm.s32 @!p1 $0xE400;
	[sflag:s25] =	ssyncadd.s32 @!p1 $0xFFFFC000;
	s25 =	sadd.s32 @!p1 $0x100, s22  }
0x94: {  	[tilespmem:s26], [sflag:$0x4] =	stream.indirect.gather @!p1 [spmem:s2], $0x80, s25, s24, $0xb8;
	[tilespmem:$0x1AC00] =	vst v63  }
0x95: {  	_ =	swait.ge @!p1 [sflag:s23], $0x4000  }
0x96: {  	s22 =	sadd.s32 @!p1 $0x180, s22;
	[sflag:s23] =	ssyncset.done @!p1 $0x0  }
0x97: {  	s25 =	simm.s32 @!p1 $0xB;
	[sflag:s23] =	ssyncadd.s32 @!p1 $0xFFFFC000;
	s23 =	simm.s32 @!p1 $0x12400  }
0x98: {  	[tilespmem:s23], [sflag:$0x5] =	stream.indirect.gather @!p1 [spmem:s2], $0x80, s22, s24, $0xb8;
	[tilespmem:$0x1AC00] =	vst v63  }
0x99: {  	_ =	swait.ge @!p1 [sflag:s25], $0x4000  }
0x9a: {  	[sflag:s25] =	ssyncset.done @!p1 $0x0  }
0x9b: {  	s21 =	sadd.s32 $0x200, s21;
	s31 =	rddreg [dreg:$0x5];
	[sflag:s25] =	ssyncadd.s32 @!p1 $0xFFFFC000  }
0x9c: {  	[tilespmem:s8], [sflag:$0x6] =	stream.indirect.gather [spmem:s2], $0x80, s21, s31, $0xb8;
	[tilespmem:$0x1AC00] =	vst v63  }
0x9d: {  	_ =	swait.ge [sflag:s9], $0x4000  }
0x9e: {  	s22 =	rddreg [dreg:$0x6];
	[sflag:s9] =	ssyncset.done $0x0  }
0x9f: {  	s23 =	rddreg [dreg:$0x7];
	[sflag:s9] =	ssyncadd.s32 $0xFFFFC000;
	s21 =	sadd.s32 s20, s22  }
0xa0: {  	[hbm4b:s21+s3] =	stream.linear.scatter [tilespmem:s23], [sflag:$0x7], $0x4000, $0x38;
	[tilespmem:$0x1AC00] =	vst v63  }
0xa1: {  	_ =	swait.ge [sflag:s10], $0x4000  }
0xa2: {  	s24 =	rddreg [dreg:$0x8]  }
0xa3: {  	[sflag:s10] =	ssyncset.done $0x0;
	s26 =	sadd.s32 s20, s24  }
0xa4: {  	s25 =	rddreg [dreg:$0x9];
	[sflag:s10] =	ssyncadd.s32 $0xFFFFC000;
	s21 =	sadd.s32 $0x800, s26  }
0xa5: {  	[hbm4b:s21+s3] =	stream.linear.scatter [tilespmem:s25], [sflag:$0x8], $0x4000, $0x38;
	[tilespmem:$0x1AC00] =	vst v63  }
0xa6: {  	_ =	swait.ge [sflag:s11], $0x4000  }
0xa7: {  	[sflag:s11] =	ssyncset.done $0x0  }
0xa8: {  	s29 =	sadd.s32 $0x1000, s26;
	s28 =	rddreg [dreg:$0xa];
	[sflag:s11] =	ssyncadd.s32 $0xFFFFC000  }
0xa9: {  	[hbm4b:s29+s3] =	stream.linear.scatter [tilespmem:s28], [sflag:$0x9], $0x4000, $0x38;
	[tilespmem:$0x1AC00] =	vst v63  }
0xaa: {  	_ =	swait.ge [sflag:s12], $0x4000  }
0xab: {  	[sflag:s12] =	ssyncset.done $0x0  }
0xac: {  	s31 =	sadd.s32 $0x1800, s26;
	s30 =	rddreg [dreg:$0xb];
	[sflag:s12] =	ssyncadd.s32 $0xFFFFC000  }
0xad: {  	[hbm4b:s31+s3] =	stream.linear.scatter [tilespmem:s30], [sflag:$0xA], $0x4000, $0x38;
	[tilespmem:$0x1AC00] =	vst v63  }
0xae: {  	_ =	swait.ge [sflag:s13], $0x4000  }
0xaf: {  	[sflag:s13] =	ssyncset.done $0x0  }
0xb0: {  	s20 =	sadd.s32 $0x2000, s26;
	[sflag:s13] =	ssyncadd.s32 $0xFFFFC000  }
0xb1: {  	[hbm4b:s20+s3] =	stream.linear.scatter [tilespmem:s8], [sflag:$0xB], $0x4000, $0x38;
	[tilespmem:$0x1AC00] =	vst v63  }
0xb2: {  	_ =	swait.ge [sflag:s14], $0x4000  }
0xb3: {  	[sflag:s14] =	ssyncset.done $0x0  }
0xb4: {  	[sflag:s14] =	ssyncadd.s32 $0xFFFFC000  }
0xb5: {  	_ =	swait.ge [sflag:s15], $0x4000  }
0xb6: {  	[sflag:s15] =	ssyncset.done $0x0  }
0xb7: {  	[sflag:s15] =	ssyncadd.s32 $0xFFFFC000  }
0xb8: {  	_ =	swait.ge [sflag:s16], $0x4000  }
0xb9: {  	[sflag:s16] =	ssyncset.done $0x0  }
0xba: {  	s19 =	sadd.s32 $0x1, s19;
	[sflag:s16] =	ssyncadd.s32 $0xFFFFC000  }
0xbb: {  	p1 =	sne.s32 s19, s5;
	_ =	swait.ge [sflag:s17], $0x4000  }
.Ltmp1:
0xbc: {  	[sflag:s17] =	ssyncset.done $0x0;
	(pc) =	sbr.rel @p1 .LBB2_1-.Ltmp1, $4  }
0xbd: {  	[sflag:s17] =	ssyncadd.s32 $0xFFFFC000  }
0xbe: {  	_ =	swait.ge [sflag:s18], $0x4000  }
0xbf: {  	[sflag:s18] =	ssyncset.done $0x0  }
0xc0: {  	[sflag:s18] =	ssyncadd.s32 $0xFFFFC000  }
0xc1: {  	_ =	sfence.sel $0x180000  }
0xc2: {  	[bflag:$0x0] =	sbarrier.arrive $0xFFFF  }
0xc3: {  	_ =	strace $0x90000047  }
0xc4: {  	s0 =	sadd.s32 @!p0 $0x100000, s1;
	[bflag:$0x2] =	sbarrier.arrive $0xFFFF  }
0xc5: {  	[sflag:s0] =	ssyncadd.tile.s32 @!p0 $0x1;
	_ =	shalt  }
.Lfunc_end2:
_tile_overlayer_lowered:
.L_overlay_start_2:
0xc6: {  	(tag) =	ssettag $0x2  }
0xc7: {  	s0 =	rddreg [dreg:$0x0];
	s2 =	stileid.u32  }
0xc8: {  	s1 =	rddreg [dreg:$0x1];
	p0 =	sne.s32 s2, $0x0  }
0xc9: {  	s3 =	rddreg [dreg:$0x2];
	[bflag:$0x3] =	sbarrier.arrive $0xFFFF;
	s2 =	simm.s32 @!p0 $0x1C0C  }
0xca: {  	[timem:s3], [sflag:s2] =	dma.local @!p0 [hbm:s0], s1  }
0xcb: {  	s0 =	simm.s32 @!p0 $0xC  }
0xcc: {  	_ =	swait.ge @!p0 [sflag:s0], s1  }
0xcd: {  	s1 =	ssub.s32 @!p0 $0x0, s1;
	[sflag:s0] =	ssyncset.done @!p0 $0x0  }
0xce: {  	[sflag:s0] =	ssyncadd.s32 @!p0 s1  }
0xcf: {  	[bflag:$0x3] =	sbarrier.arrive $0xFFFF  }
0xd0: {  	_ =	shalt  }

</sc_bundles>
